<compile_context>
chip_gen: v7x
topology: tpu7x:2x2x1
jax: 0.10.2.dev20260603
libtpu: 0.0.44.dev20260713+nightly
codegen_flags: <defaults>
</compile_context>

<pallas_src>
import functools

import jax
import jax.numpy as jnp
from jax import lax
from jax.experimental import pallas as pl
from jax.experimental.pallas import tpu as pltpu
from jax.experimental.pallas import tpu_sc as plsc

M = 1000000
D = 64
DP = 128
B = 16384
NC = 2
NS = 16
NW = NC * NS
RPT = M // NW
RPT_PAD = 31360
CAP = 4096
CHK = 128

_mesh = plsc.VectorSubcoreMesh(core_axis_name="c", subcore_axis_name="s")


@functools.partial(
    pl.kernel,
    mesh=_mesh,
    compiler_params=pltpu.CompilerParams(needs_layout_passes=False),
    scratch_types=[
        pltpu.VMEM((B,), jnp.int32),
        pltpu.VMEM((CAP + 16,), jnp.int32),
        pltpu.VMEM((CAP + 16,), jnp.int32),
        pltpu.VMEM((RPT_PAD,), jnp.int32),
        pltpu.VMEM((CHK, DP), jnp.float32),
        pltpu.SemaphoreType.DMA,
        pltpu.SemaphoreType.DMA,
    ],
)
def _sc_scatter(idx_hbm, xpad_hbm, w_ref, idx_v, dst_l, pos_l, seen, stage,
                gsem, ssem):
    wid = lax.axis_index("s") * NC + lax.axis_index("c")
    lo = wid * RPT
    hi = lo + RPT

    pltpu.sync_copy(idx_hbm, idx_v)

    zeros16 = jnp.zeros((16,), jnp.int32)

    def zero_body(i, carry):
        for u in range(8):
            seen[pl.ds(i * 128 + u * 16, 16)] = zeros16
        return carry

    lax.fori_loop(0, RPT_PAD // 128, zero_body, 0)

    def zero_pos_body(i, carry):
        pos_l[pl.ds(i * 16, 16)] = zeros16
        return carry

    lax.fori_loop(0, (CAP + 16) // 16, zero_pos_body, 0)

    lanes = lax.iota(jnp.int32, 16)

    def scan_body(i, cnt):
        for u in range(8):
            base = i * 128 + u * 16
            v = idx_v[pl.ds(base, 16)]
            m = (v >= lo) & (v < hi)
            mi = m.astype(jnp.int32)
            incl = plsc.cumsum(mi)
            off = jnp.minimum(cnt + incl - mi, CAP - 1)
            plsc.store_scatter(dst_l, [off], v, mask=m)
            plsc.store_scatter(pos_l, [off], base + lanes, mask=m)
            cnt = cnt + incl[15]
        return cnt

    cnt = lax.fori_loop(0, B // 128, scan_body, jnp.int32(0))
    cnt = jnp.minimum(cnt, CAP)

    lane0 = lanes == 0
    zvec = jnp.zeros((16,), jnp.int32)

    def dedup_body(k, carry):
        p = cnt - 1 - k
        r = dst_l[pl.ds(p, 16)][0]
        rr = r - lo
        s = seen[pl.ds(rr, 16)][0]
        cand = pos_l[pl.ds(p, 16)][0]
        winner = jnp.where(s == 0, cand, s - 1)
        plsc.store_scatter(seen, [zvec + rr], zvec + winner + 1, mask=lane0)
        plsc.store_scatter(pos_l, [zvec + p], zvec + winner, mask=lane0)
        return carry

    lax.fori_loop(0, cnt, dedup_body, 0)

    def drain_one(i, carry):
        pltpu.make_async_copy(
            stage.at[0, pl.ds(0, D)], w_ref.at[0], ssem).wait()
        return carry

    def fire_one(j, base):
        k = base + j
        r = dst_l[pl.ds(k, 16)][0]
        pltpu.async_copy(stage.at[j, pl.ds(0, D)], w_ref.at[r], ssem)
        return base

    def chunk_body(g, carry):
        base = g * CHK
        nthis = jnp.minimum(cnt - base, CHK)
        cp = pltpu.async_copy(
            xpad_hbm.at[pos_l.at[pl.ds(base, CHK)]], stage, gsem)
        cp.wait()
        lax.fori_loop(0, nthis, fire_one, base)
        lax.fori_loop(0, nthis, drain_one, 0)
        return carry

    nchunk = (cnt + CHK - 1) // CHK
    lax.fori_loop(0, nchunk, chunk_body, 0)


def kernel(idx, x, weight):
    xpad = jnp.pad(x, ((0, 0), (0, DP - D)))
    w2 = jax.new_ref(weight)
    _sc_scatter(idx, xpad, w2)
    return (x, w2[...])

# --- scband reference (transcript-rebuilt; emitter-appended) ---
"""Pipeline reference for scband-feature-buffer-28741921145329 (READ-ONLY COPY).

The authoritative reference and input builder live on the scoring server;
editing this copy changes nothing except your own understanding.
"""

import jax, jax.numpy as jnp
import numpy as np

M = 1000000
D = 64
B = 16384

def setup_inputs(seed: int = 0) -> dict:
    key = jax.random.key(seed)
    k1, k2 = jax.random.split(key)
    idx = jax.random.randint(k1, (B,), 0, M)
    x = jax.random.normal(k2, (B, D), dtype=jnp.float32)
    # non-learnable buffer 'weight' initialized to zeros per nn.Parameter(torch.zeros(shape))
    weight = jnp.zeros((M, D), dtype=jnp.float32)
    return {"idx": idx, "x": x, "weight": weight}

def reference(idx, x, weight):
    # torch: output = self.weight[idx] = x.detach().to(self.weight.dtype)
    # chained assignment: output is the detached/cast x, and weight rows at idx are overwritten.
    output = jax.lax.stop_gradient(x).astype(weight.dtype)
    new_weight = weight.at[idx].set(output)  # scatter-overwrite (in-place buffer update in torch)
    return (output, new_weight)

if __name__ == "__main__":
    import jax
    _d = setup_inputs()
    print(jax.jit(kernel)(*tuple(_d.values())))

</pallas_src>

<mosaic_0001>
#map = affine_map<(d0, d1) -> (0)>
#map1 = affine_map<(d0, d1) -> (0, 0)>
module attributes {stable_mosaic.version = 14 : i64} {
  func.func @new_body(%arg0: i32, %arg1: i32, %arg2: memref<16384xi32, #tpu.memory_space<hbm>>, %arg3: memref<16384x128xf32, #tpu.memory_space<hbm>>, %arg4: memref<1000000x64xf32, #tpu.memory_space<hbm>>, %arg5: memref<1000000x64xf32, #tpu.memory_space<hbm>>, %arg6: memref<16384xi32, #tpu.memory_space<vmem>>, %arg7: memref<4112xi32, #tpu.memory_space<vmem>>, %arg8: memref<4112xi32, #tpu.memory_space<vmem>>, %arg9: memref<31360xi32, #tpu.memory_space<vmem>>, %arg10: memref<128x128xf32, #tpu.memory_space<vmem>>, %arg11: memref<!tpu.dma_semaphore, #tpu.memory_space<semaphore_mem>>, %arg12: memref<!tpu.dma_semaphore, #tpu.memory_space<semaphore_mem>>) attributes {dimension_semantics = [#tpu.dimension_semantics<core_parallel>, #tpu.dimension_semantics<subcore_parallel>], iteration_bounds = array<i64: 2, 16>, scalar_prefetch = 0 : i64, scratch_operands = 7 : i64, tpu.core_type = #tpu.core_type<sc_vector_subcore>, window_params = [{transform_indices = #map}, {transform_indices = #map1}, {transform_indices = #map1}, {transform_indices = #map1}]} {
    %mul3A = arith.constant 2 : i32
    %mul3A_0 = arith.muli %arg1, %mul3A : i32
    %add3A = arith.addi %mul3A_0, %arg0 : i32
    %mul3A_1 = arith.constant 31250 : i32
    %mul3A_2 = arith.muli %add3A, %mul3A_1 : i32
    %add3A_3 = arith.constant 31250 : i32
    %add3A_4 = arith.addi %mul3A_2, %add3A_3 : i32
    "tpu.region"() ({
      %run_scoped3A = tpu.sem_alloc : memref<!tpu.dma_semaphore, #tpu.memory_space<semaphore_mem>>
      tpu.enqueue_dma source(%arg2 : memref<16384xi32, #tpu.memory_space<hbm>>) target(%arg6 : memref<16384xi32, #tpu.memory_space<vmem>>) target_semaphore(%run_scoped3A : memref<!tpu.dma_semaphore, #tpu.memory_space<semaphore_mem>>)
      tpu.wait_dma2 semaphore(%run_scoped3A : memref<!tpu.dma_semaphore, #tpu.memory_space<semaphore_mem>>) src(%arg2 : memref<16384xi32, #tpu.memory_space<hbm>>) dst(%arg6 : memref<16384xi32, #tpu.memory_space<vmem>>)
      tpu.yield
    }) : () -> ()
    %broadcast_in_dim3A = arith.constant 0 : i32
    %broadcast_in_dim3A_5 = vector.broadcast %broadcast_in_dim3A : i32 to vector<16xi32>
    %scan3A = arith.constant 0 : i32
    %scan3A_6 = arith.constant 0 : i32
    %scan3A_7 = arith.constant 245 : i32
    %scan3A_8 = arith.addi %scan3A_6, %scan3A_7 : i32
    %scan3A_9 = arith.constant 1 : i32
    scf.for %scan3A_68 = %scan3A_6 to %scan3A_8 step %scan3A_9  : i32 {
      %mul3A_69 = arith.constant 128 : i32
      %mul3A_70 = arith.muli %scan3A_68, %mul3A_69 : i32
      %add3A_71 = arith.constant 0 : i32
      %add3A_72 = arith.addi %mul3A_70, %add3A_71 : i32
      %swap3A = arith.index_cast %add3A_72 : i32 to index
      %swap3A_73 = tpu.vector_load %arg9[%swap3A] {strides = array<i32>} : memref<31360xi32, #tpu.memory_space<vmem>>, vector<16xi32>,
      tpu.vector_store %arg9[%swap3A], %broadcast_in_dim3A_5 {strides = array<i32>} : memref<31360xi32, #tpu.memory_space<vmem>>, vector<16xi32>,
      %mul3A_74 = arith.constant 128 : i32
      %mul3A_75 = arith.muli %scan3A_68, %mul3A_74 : i32
      %add3A_76 = arith.constant 16 : i32
      %add3A_77 = arith.addi %mul3A_75, %add3A_76 : i32
      %swap3A_78 = arith.index_cast %add3A_77 : i32 to index
      %swap3A_79 = tpu.vector_load %arg9[%swap3A_78] {strides = array<i32>} : memref<31360xi32, #tpu.memory_space<vmem>>, vector<16xi32>,
      tpu.vector_store %arg9[%swap3A_78], %broadcast_in_dim3A_5 {strides = array<i32>} : memref<31360xi32, #tpu.memory_space<vmem>>, vector<16xi32>,
      %mul3A_80 = arith.constant 128 : i32
      %mul3A_81 = arith.muli %scan3A_68, %mul3A_80 : i32
      %add3A_82 = arith.constant 32 : i32
      %add3A_83 = arith.addi %mul3A_81, %add3A_82 : i32
      %swap3A_84 = arith.index_cast %add3A_83 : i32 to index
      %swap3A_85 = tpu.vector_load %arg9[%swap3A_84] {strides = array<i32>} : memref<31360xi32, #tpu.memory_space<vmem>>, vector<16xi32>,
      tpu.vector_store %arg9[%swap3A_84], %broadcast_in_dim3A_5 {strides = array<i32>} : memref<31360xi32, #tpu.memory_space<vmem>>, vector<16xi32>,
      %mul3A_86 = arith.constant 128 : i32
      %mul3A_87 = arith.muli %scan3A_68, %mul3A_86 : i32
      %add3A_88 = arith.constant 48 : i32
      %add3A_89 = arith.addi %mul3A_87, %add3A_88 : i32
      %swap3A_90 = arith.index_cast %add3A_89 : i32 to index
      %swap3A_91 = tpu.vector_load %arg9[%swap3A_90] {strides = array<i32>} : memref<31360xi32, #tpu.memory_space<vmem>>, vector<16xi32>,
      tpu.vector_store %arg9[%swap3A_90], %broadcast_in_dim3A_5 {strides = array<i32>} : memref<31360xi32, #tpu.memory_space<vmem>>, vector<16xi32>,
      %mul3A_92 = arith.constant 128 : i32
      %mul3A_93 = arith.muli %scan3A_68, %mul3A_92 : i32
      %add3A_94 = arith.constant 64 : i32
      %add3A_95 = arith.addi %mul3A_93, %add3A_94 : i32
      %swap3A_96 = arith.index_cast %add3A_95 : i32 to index
      %swap3A_97 = tpu.vector_load %arg9[%swap3A_96] {strides = array<i32>} : memref<31360xi32, #tpu.memory_space<vmem>>, vector<16xi32>,
      tpu.vector_store %arg9[%swap3A_96], %broadcast_in_dim3A_5 {strides = array<i32>} : memref<31360xi32, #tpu.memory_space<vmem>>, vector<16xi32>,
      %mul3A_98 = arith.constant 128 : i32
      %mul3A_99 = arith.muli %scan3A_68, %mul3A_98 : i32
      %add3A_100 = arith.constant 80 : i32
      %add3A_101 = arith.addi %mul3A_99, %add3A_100 : i32
      %swap3A_102 = arith.index_cast %add3A_101 : i32 to index
      %swap3A_103 = tpu.vector_load %arg9[%swap3A_102] {strides = array<i32>} : memref<31360xi32, #tpu.memory_space<vmem>>, vector<16xi32>,
      tpu.vector_store %arg9[%swap3A_102], %broadcast_in_dim3A_5 {strides = array<i32>} : memref<31360xi32, #tpu.memory_space<vmem>>, vector<16xi32>,
      %mul3A_104 = arith.constant 128 : i32
      %mul3A_105 = arith.muli %scan3A_68, %mul3A_104 : i32
      %add3A_106 = arith.constant 96 : i32
      %add3A_107 = arith.addi %mul3A_105, %add3A_106 : i32
      %swap3A_108 = arith.index_cast %add3A_107 : i32 to index
      %swap3A_109 = tpu.vector_load %arg9[%swap3A_108] {strides = array<i32>} : memref<31360xi32, #tpu.memory_space<vmem>>, vector<16xi32>,
      tpu.vector_store %arg9[%swap3A_108], %broadcast_in_dim3A_5 {strides = array<i32>} : memref<31360xi32, #tpu.memory_space<vmem>>, vector<16xi32>,
      %mul3A_110 = arith.constant 128 : i32
      %mul3A_111 = arith.muli %scan3A_68, %mul3A_110 : i32
      %add3A_112 = arith.constant 112 : i32
      %add3A_113 = arith.addi %mul3A_111, %add3A_112 : i32
      %swap3A_114 = arith.index_cast %add3A_113 : i32 to index
      %swap3A_115 = tpu.vector_load %arg9[%swap3A_114] {strides = array<i32>} : memref<31360xi32, #tpu.memory_space<vmem>>, vector<16xi32>,
      tpu.vector_store %arg9[%swap3A_114], %broadcast_in_dim3A_5 {strides = array<i32>} : memref<31360xi32, #tpu.memory_space<vmem>>, vector<16xi32>,
    }
    %scan3A_10 = arith.constant 245 : i32
    %scan3A_11 = arith.constant 0 : i32
    %scan3A_12 = arith.constant 0 : i32
    %scan3A_13 = arith.constant 257 : i32
    %scan3A_14 = arith.addi %scan3A_12, %scan3A_13 : i32
    %scan3A_15 = arith.constant 1 : i32
    scf.for %scan3A_68 = %scan3A_12 to %scan3A_14 step %scan3A_15  : i32 {
      %mul3A_69 = arith.constant 16 : i32
      %mul3A_70 = arith.muli %scan3A_68, %mul3A_69 : i32
      %swap3A = arith.index_cast %mul3A_70 : i32 to index
      %swap3A_71 = tpu.vector_load %arg8[%swap3A] {strides = array<i32>} : memref<4112xi32, #tpu.memory_space<vmem>>, vector<16xi32>,
      tpu.vector_store %arg8[%swap3A], %broadcast_in_dim3A_5 {strides = array<i32>} : memref<4112xi32, #tpu.memory_space<vmem>>, vector<16xi32>,
    }
    %scan3A_16 = arith.constant 257 : i32
    %iota3A = tpu.iota {dimensions = array<i32: 0>} : vector<16xi32>
    %scan3A_17 = arith.constant 0 : i32
    %scan3A_18 = arith.constant 0 : i32
    %scan3A_19 = arith.constant 128 : i32
    %scan3A_20 = arith.addi %scan3A_18, %scan3A_19 : i32
    %scan3A_21 = arith.constant 1 : i32
    %scan3A_22 = scf.for %scan3A_68 = %scan3A_18 to %scan3A_20 step %scan3A_21 iter_args(%scan3A_69 = %scan3A_17) -> (i32)  : i32 {
      %mul3A_70 = arith.constant 128 : i32
      %mul3A_71 = arith.muli %scan3A_68, %mul3A_70 : i32
      %add3A_72 = arith.constant 0 : i32
      %add3A_73 = arith.addi %mul3A_71, %add3A_72 : i32
      %get3A = arith.index_cast %add3A_73 : i32 to index
      %get3A_74 = tpu.vector_load %arg6[%get3A] {strides = array<i32>} : memref<16384xi32, #tpu.memory_space<vmem>>, vector<16xi32>,
      %ge3A = vector.broadcast %mul3A_2 : i32 to vector<16xi32>
      %ge3A_75 = arith.cmpi sge, %get3A_74, %ge3A : vector<16xi32>
      %lt3A = vector.broadcast %add3A_4 : i32 to vector<16xi32>
      %lt3A_76 = arith.cmpi slt, %get3A_74, %lt3A : vector<16xi32>
      %and3A_77 = arith.andi %ge3A_75, %lt3A_76 : vector<16xi1>
      %convert_element_type3A = arith.extui %and3A_77 : vector<16xi1> to vector<16xi32>
      %broadcast_in_dim3A_78 = arith.constant true
      %broadcast_in_dim3A_79 = vector.broadcast %broadcast_in_dim3A_78 : i1 to vector<16xi1>
      %masked_cumsum3A = tpu.scan <sum>, %convert_element_type3A masked %broadcast_in_dim3A_79 : vector<16xi32>, vector<16xi1> -> vector<16xi32>
      %add3A_80 = vector.broadcast %scan3A_69 : i32 to vector<16xi32>
      %add3A_81 = arith.addi %add3A_80, %masked_cumsum3A : vector<16xi32>
      %sub3A_82 = arith.subi %add3A_81, %convert_element_type3A : vector<16xi32>
      %min3A_83 = arith.constant 4095 : i32
      %min3A_84 = vector.broadcast %min3A_83 : i32 to vector<16xi32>
      %min3A_85 = arith.minsi %sub3A_82, %min3A_84 : vector<16xi32>
      tpu.vector_store_idx %arg7[%min3A_85], %get3A_74 masked %and3A_77 : memref<4112xi32, #tpu.memory_space<vmem>>[vector<16xi32>], vector<16xi32>, vector<16xi1>
      %add3A_86 = vector.broadcast %add3A_73 : i32 to vector<16xi32>
      %add3A_87 = arith.addi %add3A_86, %iota3A : vector<16xi32>
      tpu.vector_store_idx %arg8[%min3A_85], %add3A_87 masked %and3A_77 : memref<4112xi32, #tpu.memory_space<vmem>>[vector<16xi32>], vector<16xi32>, vector<16xi1>
      %slice3A = vector.extract_strided_slice %masked_cumsum3A {offsets = [15], sizes = [1], strides = [1]} : vector<16xi32> to vector<1xi32>
      %squeeze3A = vector.extract %slice3A[0] : i32 from vector<1xi32>
      %add3A_88 = arith.addi %scan3A_69, %squeeze3A : i32
      %mul3A_89 = arith.constant 128 : i32
      %mul3A_90 = arith.muli %scan3A_68, %mul3A_89 : i32
      %add3A_91 = arith.constant 16 : i32
      %add3A_92 = arith.addi %mul3A_90, %add3A_91 : i32
      %get3A_93 = arith.index_cast %add3A_92 : i32 to index
      %get3A_94 = tpu.vector_load %arg6[%get3A_93] {strides = array<i32>} : memref<16384xi32, #tpu.memory_space<vmem>>, vector<16xi32>,
      %ge3A_95 = vector.broadcast %mul3A_2 : i32 to vector<16xi32>
      %ge3A_96 = arith.cmpi sge, %get3A_94, %ge3A_95 : vector<16xi32>
      %lt3A_97 = vector.broadcast %add3A_4 : i32 to vector<16xi32>
      %lt3A_98 = arith.cmpi slt, %get3A_94, %lt3A_97 : vector<16xi32>
      %and3A_99 = arith.andi %ge3A_96, %lt3A_98 : vector<16xi1>
      %convert_element_type3A_100 = arith.extui %and3A_99 : vector<16xi1> to vector<16xi32>
      %broadcast_in_dim3A_101 = arith.constant true
      %broadcast_in_dim3A_102 = vector.broadcast %broadcast_in_dim3A_101 : i1 to vector<16xi1>
      %masked_cumsum3A_103 = tpu.scan <sum>, %convert_element_type3A_100 masked %broadcast_in_dim3A_102 : vector<16xi32>, vector<16xi1> -> vector<16xi32>
      %add3A_104 = vector.broadcast %add3A_88 : i32 to vector<16xi32>
      %add3A_105 = arith.addi %add3A_104, %masked_cumsum3A_103 : vector<16xi32>
      %sub3A_106 = arith.subi %add3A_105, %convert_element_type3A_100 : vector<16xi32>
      %min3A_107 = arith.constant 4095 : i32
      %min3A_108 = vector.broadcast %min3A_107 : i32 to vector<16xi32>
      %min3A_109 = arith.minsi %sub3A_106, %min3A_108 : vector<16xi32>
      tpu.vector_store_idx %arg7[%min3A_109], %get3A_94 masked %and3A_99 : memref<4112xi32, #tpu.memory_space<vmem>>[vector<16xi32>], vector<16xi32>, vector<16xi1>
      %add3A_110 = vector.broadcast %add3A_92 : i32 to vector<16xi32>
      %add3A_111 = arith.addi %add3A_110, %iota3A : vector<16xi32>
      tpu.vector_store_idx %arg8[%min3A_109], %add3A_111 masked %and3A_99 : memref<4112xi32, #tpu.memory_space<vmem>>[vector<16xi32>], vector<16xi32>, vector<16xi1>
      %slice3A_112 = vector.extract_strided_slice %masked_cumsum3A_103 {offsets = [15], sizes = [1], strides = [1]} : vector<16xi32> to vector<1xi32>
      %squeeze3A_113 = vector.extract %slice3A_112[0] : i32 from vector<1xi32>
      %add3A_114 = arith.addi %add3A_88, %squeeze3A_113 : i32
      %mul3A_115 = arith.constant 128 : i32
      %mul3A_116 = arith.muli %scan3A_68, %mul3A_115 : i32
      %add3A_117 = arith.constant 32 : i32
      %add3A_118 = arith.addi %mul3A_116, %add3A_117 : i32
      %get3A_119 = arith.index_cast %add3A_118 : i32 to index
      %get3A_120 = tpu.vector_load %arg6[%get3A_119] {strides = array<i32>} : memref<16384xi32, #tpu.memory_space<vmem>>, vector<16xi32>,
      %ge3A_121 = vector.broadcast %mul3A_2 : i32 to vector<16xi32>
      %ge3A_122 = arith.cmpi sge, %get3A_120, %ge3A_121 : vector<16xi32>
      %lt3A_123 = vector.broadcast %add3A_4 : i32 to vector<16xi32>
      %lt3A_124 = arith.cmpi slt, %get3A_120, %lt3A_123 : vector<16xi32>
      %and3A_125 = arith.andi %ge3A_122, %lt3A_124 : vector<16xi1>
      %convert_element_type3A_126 = arith.extui %and3A_125 : vector<16xi1> to vector<16xi32>
      %broadcast_in_dim3A_127 = arith.constant true
      %broadcast_in_dim3A_128 = vector.broadcast %broadcast_in_dim3A_127 : i1 to vector<16xi1>
      %masked_cumsum3A_129 = tpu.scan <sum>, %convert_element_type3A_126 masked %broadcast_in_dim3A_128 : vector<16xi32>, vector<16xi1> -> vector<16xi32>
      %add3A_130 = vector.broadcast %add3A_114 : i32 to vector<16xi32>
      %add3A_131 = arith.addi %add3A_130, %masked_cumsum3A_129 : vector<16xi32>
      %sub3A_132 = arith.subi %add3A_131, %convert_element_type3A_126 : vector<16xi32>
      %min3A_133 = arith.constant 4095 : i32
      %min3A_134 = vector.broadcast %min3A_133 : i32 to vector<16xi32>
      %min3A_135 = arith.minsi %sub3A_132, %min3A_134 : vector<16xi32>
      tpu.vector_store_idx %arg7[%min3A_135], %get3A_120 masked %and3A_125 : memref<4112xi32, #tpu.memory_space<vmem>>[vector<16xi32>], vector<16xi32>, vector<16xi1>
      %add3A_136 = vector.broadcast %add3A_118 : i32 to vector<16xi32>
      %add3A_137 = arith.addi %add3A_136, %iota3A : vector<16xi32>
      tpu.vector_store_idx %arg8[%min3A_135], %add3A_137 masked %and3A_125 : memref<4112xi32, #tpu.memory_space<vmem>>[vector<16xi32>], vector<16xi32>, vector<16xi1>
      %slice3A_138 = vector.extract_strided_slice %masked_cumsum3A_129 {offsets = [15], sizes = [1], strides = [1]} : vector<16xi32> to vector<1xi32>
      %squeeze3A_139 = vector.extract %slice3A_138[0] : i32 from vector<1xi32>
      %add3A_140 = arith.addi %add3A_114, %squeeze3A_139 : i32
      %mul3A_141 = arith.constant 128 : i32
      %mul3A_142 = arith.muli %scan3A_68, %mul3A_141 : i32
      %add3A_143 = arith.constant 48 : i32
      %add3A_144 = arith.addi %mul3A_142, %add3A_143 : i32
      %get3A_145 = arith.index_cast %add3A_144 : i32 to index
      %get3A_146 = tpu.vector_load %arg6[%get3A_145] {strides = array<i32>} : memref<16384xi32, #tpu.memory_space<vmem>>, vector<16xi32>,
      %ge3A_147 = vector.broadcast %mul3A_2 : i32 to vector<16xi32>
      %ge3A_148 = arith.cmpi sge, %get3A_146, %ge3A_147 : vector<16xi32>
      %lt3A_149 = vector.broadcast %add3A_4 : i32 to vector<16xi32>
      %lt3A_150 = arith.cmpi slt, %get3A_146, %lt3A_149 : vector<16xi32>
      %and3A_151 = arith.andi %ge3A_148, %lt3A_150 : vector<16xi1>
      %convert_element_type3A_152 = arith.extui %and3A_151 : vector<16xi1> to vector<16xi32>
      %broadcast_in_dim3A_153 = arith.constant true
      %broadcast_in_dim3A_154 = vector.broadcast %broadcast_in_dim3A_153 : i1 to vector<16xi1>
      %masked_cumsum3A_155 = tpu.scan <sum>, %convert_element_type3A_152 masked %broadcast_in_dim3A_154 : vector<16xi32>, vector<16xi1> -> vector<16xi32>
      %add3A_156 = vector.broadcast %add3A_140 : i32 to vector<16xi32>
      %add3A_157 = arith.addi %add3A_156, %masked_cumsum3A_155 : vector<16xi32>
      %sub3A_158 = arith.subi %add3A_157, %convert_element_type3A_152 : vector<16xi32>
      %min3A_159 = arith.constant 4095 : i32
      %min3A_160 = vector.broadcast %min3A_159 : i32 to vector<16xi32>
      %min3A_161 = arith.minsi %sub3A_158, %min3A_160 : vector<16xi32>
      tpu.vector_store_idx %arg7[%min3A_161], %get3A_146 masked %and3A_151 : memref<4112xi32, #tpu.memory_space<vmem>>[vector<16xi32>], vector<16xi32>, vector<16xi1>
      %add3A_162 = vector.broadcast %add3A_144 : i32 to vector<16xi32>
      %add3A_163 = arith.addi %add3A_162, %iota3A : vector<16xi32>
      tpu.vector_store_idx %arg8[%min3A_161], %add3A_163 masked %and3A_151 : memref<4112xi32, #tpu.memory_space<vmem>>[vector<16xi32>], vector<16xi32>, vector<16xi1>
      %slice3A_164 = vector.extract_strided_slice %masked_cumsum3A_155 {offsets = [15], sizes = [1], strides = [1]} : vector<16xi32> to vector<1xi32>
      %squeeze3A_165 = vector.extract %slice3A_164[0] : i32 from vector<1xi32>
      %add3A_166 = arith.addi %add3A_140, %squeeze3A_165 : i32
      %mul3A_167 = arith.constant 128 : i32
      %mul3A_168 = arith.muli %scan3A_68, %mul3A_167 : i32
      %add3A_169 = arith.constant 64 : i32
      %add3A_170 = arith.addi %mul3A_168, %add3A_169 : i32
      %get3A_171 = arith.index_cast %add3A_170 : i32 to index
      %get3A_172 = tpu.vector_load %arg6[%get3A_171] {strides = array<i32>} : memref<16384xi32, #tpu.memory_space<vmem>>, vector<16xi32>,
      %ge3A_173 = vector.broadcast %mul3A_2 : i32 to vector<16xi32>
      %ge3A_174 = arith.cmpi sge, %get3A_172, %ge3A_173 : vector<16xi32>
      %lt3A_175 = vector.broadcast %add3A_4 : i32 to vector<16xi32>
      %lt3A_176 = arith.cmpi slt, %get3A_172, %lt3A_175 : vector<16xi32>
      %and3A_177 = arith.andi %ge3A_174, %lt3A_176 : vector<16xi1>
      %convert_element_type3A_178 = arith.extui %and3A_177 : vector<16xi1> to vector<16xi32>
      %broadcast_in_dim3A_179 = arith.constant true
      %broadcast_in_dim3A_180 = vector.broadcast %broadcast_in_dim3A_179 : i1 to vector<16xi1>
      %masked_cumsum3A_181 = tpu.scan <sum>, %convert_element_type3A_178 masked %broadcast_in_dim3A_180 : vector<16xi32>, vector<16xi1> -> vector<16xi32>
      %add3A_182 = vector.broadcast %add3A_166 : i32 to vector<16xi32>
      %add3A_183 = arith.addi %add3A_182, %masked_cumsum3A_181 : vector<16xi32>
      %sub3A_184 = arith.subi %add3A_183, %convert_element_type3A_178 : vector<16xi32>
      %min3A_185 = arith.constant 4095 : i32
      %min3A_186 = vector.broadcast %min3A_185 : i32 to vector<16xi32>
      %min3A_187 = arith.minsi %sub3A_184, %min3A_186 : vector<16xi32>
      tpu.vector_store_idx %arg7[%min3A_187], %get3A_172 masked %and3A_177 : memref<4112xi32, #tpu.memory_space<vmem>>[vector<16xi32>], vector<16xi32>, vector<16xi1>
      %add3A_188 = vector.broadcast %add3A_170 : i32 to vector<16xi32>
      %add3A_189 = arith.addi %add3A_188, %iota3A : vector<16xi32>
      tpu.vector_store_idx %arg8[%min3A_187], %add3A_189 masked %and3A_177 : memref<4112xi32, #tpu.memory_space<vmem>>[vector<16xi32>], vector<16xi32>, vector<16xi1>
      %slice3A_190 = vector.extract_strided_slice %masked_cumsum3A_181 {offsets = [15], sizes = [1], strides = [1]} : vector<16xi32> to vector<1xi32>
      %squeeze3A_191 = vector.extract %slice3A_190[0] : i32 from vector<1xi32>
      %add3A_192 = arith.addi %add3A_166, %squeeze3A_191 : i32
      %mul3A_193 = arith.constant 128 : i32
      %mul3A_194 = arith.muli %scan3A_68, %mul3A_193 : i32
      %add3A_195 = arith.constant 80 : i32
      %add3A_196 = arith.addi %mul3A_194, %add3A_195 : i32
      %get3A_197 = arith.index_cast %add3A_196 : i32 to index
      %get3A_198 = tpu.vector_load %arg6[%get3A_197] {strides = array<i32>} : memref<16384xi32, #tpu.memory_space<vmem>>, vector<16xi32>,
      %ge3A_199 = vector.broadcast %mul3A_2 : i32 to vector<16xi32>
      %ge3A_200 = arith.cmpi sge, %get3A_198, %ge3A_199 : vector<16xi32>
      %lt3A_201 = vector.broadcast %add3A_4 : i32 to vector<16xi32>
      %lt3A_202 = arith.cmpi slt, %get3A_198, %lt3A_201 : vector<16xi32>
      %and3A_203 = arith.andi %ge3A_200, %lt3A_202 : vector<16xi1>
      %convert_element_type3A_204 = arith.extui %and3A_203 : vector<16xi1> to vector<16xi32>
      %broadcast_in_dim3A_205 = arith.constant true
      %broadcast_in_dim3A_206 = vector.broadcast %broadcast_in_dim3A_205 : i1 to vector<16xi1>
      %masked_cumsum3A_207 = tpu.scan <sum>, %convert_element_type3A_204 masked %broadcast_in_dim3A_206 : vector<16xi32>, vector<16xi1> -> vector<16xi32>
      %add3A_208 = vector.broadcast %add3A_192 : i32 to vector<16xi32>
      %add3A_209 = arith.addi %add3A_208, %masked_cumsum3A_207 : vector<16xi32>
      %sub3A_210 = arith.subi %add3A_209, %convert_element_type3A_204 : vector<16xi32>
      %min3A_211 = arith.constant 4095 : i32
      %min3A_212 = vector.broadcast %min3A_211 : i32 to vector<16xi32>
      %min3A_213 = arith.minsi %sub3A_210, %min3A_212 : vector<16xi32>
      tpu.vector_store_idx %arg7[%min3A_213], %get3A_198 masked %and3A_203 : memref<4112xi32, #tpu.memory_space<vmem>>[vector<16xi32>], vector<16xi32>, vector<16xi1>
      %add3A_214 = vector.broadcast %add3A_196 : i32 to vector<16xi32>
      %add3A_215 = arith.addi %add3A_214, %iota3A : vector<16xi32>
      tpu.vector_store_idx %arg8[%min3A_213], %add3A_215 masked %and3A_203 : memref<4112xi32, #tpu.memory_space<vmem>>[vector<16xi32>], vector<16xi32>, vector<16xi1>
      %slice3A_216 = vector.extract_strided_slice %masked_cumsum3A_207 {offsets = [15], sizes = [1], strides = [1]} : vector<16xi32> to vector<1xi32>
      %squeeze3A_217 = vector.extract %slice3A_216[0] : i32 from vector<1xi32>
      %add3A_218 = arith.addi %add3A_192, %squeeze3A_217 : i32
      %mul3A_219 = arith.constant 128 : i32
      %mul3A_220 = arith.muli %scan3A_68, %mul3A_219 : i32
      %add3A_221 = arith.constant 96 : i32
      %add3A_222 = arith.addi %mul3A_220, %add3A_221 : i32
      %get3A_223 = arith.index_cast %add3A_222 : i32 to index
      %get3A_224 = tpu.vector_load %arg6[%get3A_223] {strides = array<i32>} : memref<16384xi32, #tpu.memory_space<vmem>>, vector<16xi32>,
      %ge3A_225 = vector.broadcast %mul3A_2 : i32 to vector<16xi32>
      %ge3A_226 = arith.cmpi sge, %get3A_224, %ge3A_225 : vector<16xi32>
      %lt3A_227 = vector.broadcast %add3A_4 : i32 to vector<16xi32>
      %lt3A_228 = arith.cmpi slt, %get3A_224, %lt3A_227 : vector<16xi32>
      %and3A_229 = arith.andi %ge3A_226, %lt3A_228 : vector<16xi1>
      %convert_element_type3A_230 = arith.extui %and3A_229 : vector<16xi1> to vector<16xi32>
      %broadcast_in_dim3A_231 = arith.constant true
      %broadcast_in_dim3A_232 = vector.broadcast %broadcast_in_dim3A_231 : i1 to vector<16xi1>
      %masked_cumsum3A_233 = tpu.scan <sum>, %convert_element_type3A_230 masked %broadcast_in_dim3A_232 : vector<16xi32>, vector<16xi1> -> vector<16xi32>
      %add3A_234 = vector.broadcast %add3A_218 : i32 to vector<16xi32>
      %add3A_235 = arith.addi %add3A_234, %masked_cumsum3A_233 : vector<16xi32>
      %sub3A_236 = arith.subi %add3A_235, %convert_element_type3A_230 : vector<16xi32>
      %min3A_237 = arith.constant 4095 : i32
      %min3A_238 = vector.broadcast %min3A_237 : i32 to vector<16xi32>
      %min3A_239 = arith.minsi %sub3A_236, %min3A_238 : vector<16xi32>
      tpu.vector_store_idx %arg7[%min3A_239], %get3A_224 masked %and3A_229 : memref<4112xi32, #tpu.memory_space<vmem>>[vector<16xi32>], vector<16xi32>, vector<16xi1>
      %add3A_240 = vector.broadcast %add3A_222 : i32 to vector<16xi32>
      %add3A_241 = arith.addi %add3A_240, %iota3A : vector<16xi32>
      tpu.vector_store_idx %arg8[%min3A_239], %add3A_241 masked %and3A_229 : memref<4112xi32, #tpu.memory_space<vmem>>[vector<16xi32>], vector<16xi32>, vector<16xi1>
      %slice3A_242 = vector.extract_strided_slice %masked_cumsum3A_233 {offsets = [15], sizes = [1], strides = [1]} : vector<16xi32> to vector<1xi32>
      %squeeze3A_243 = vector.extract %slice3A_242[0] : i32 from vector<1xi32>
      %add3A_244 = arith.addi %add3A_218, %squeeze3A_243 : i32
      %mul3A_245 = arith.constant 128 : i32
      %mul3A_246 = arith.muli %scan3A_68, %mul3A_245 : i32
      %add3A_247 = arith.constant 112 : i32
      %add3A_248 = arith.addi %mul3A_246, %add3A_247 : i32
      %get3A_249 = arith.index_cast %add3A_248 : i32 to index
      %get3A_250 = tpu.vector_load %arg6[%get3A_249] {strides = array<i32>} : memref<16384xi32, #tpu.memory_space<vmem>>, vector<16xi32>,
      %ge3A_251 = vector.broadcast %mul3A_2 : i32 to vector<16xi32>
      %ge3A_252 = arith.cmpi sge, %get3A_250, %ge3A_251 : vector<16xi32>
      %lt3A_253 = vector.broadcast %add3A_4 : i32 to vector<16xi32>
      %lt3A_254 = arith.cmpi slt, %get3A_250, %lt3A_253 : vector<16xi32>
      %and3A_255 = arith.andi %ge3A_252, %lt3A_254 : vector<16xi1>
      %convert_element_type3A_256 = arith.extui %and3A_255 : vector<16xi1> to vector<16xi32>
      %broadcast_in_dim3A_257 = arith.constant true
      %broadcast_in_dim3A_258 = vector.broadcast %broadcast_in_dim3A_257 : i1 to vector<16xi1>
      %masked_cumsum3A_259 = tpu.scan <sum>, %convert_element_type3A_256 masked %broadcast_in_dim3A_258 : vector<16xi32>, vector<16xi1> -> vector<16xi32>
      %add3A_260 = vector.broadcast %add3A_244 : i32 to vector<16xi32>
      %add3A_261 = arith.addi %add3A_260, %masked_cumsum3A_259 : vector<16xi32>
      %sub3A_262 = arith.subi %add3A_261, %convert_element_type3A_256 : vector<16xi32>
      %min3A_263 = arith.constant 4095 : i32
      %min3A_264 = vector.broadcast %min3A_263 : i32 to vector<16xi32>
      %min3A_265 = arith.minsi %sub3A_262, %min3A_264 : vector<16xi32>
      tpu.vector_store_idx %arg7[%min3A_265], %get3A_250 masked %and3A_255 : memref<4112xi32, #tpu.memory_space<vmem>>[vector<16xi32>], vector<16xi32>, vector<16xi1>
      %add3A_266 = vector.broadcast %add3A_248 : i32 to vector<16xi32>
      %add3A_267 = arith.addi %add3A_266, %iota3A : vector<16xi32>
      tpu.vector_store_idx %arg8[%min3A_265], %add3A_267 masked %and3A_255 : memref<4112xi32, #tpu.memory_space<vmem>>[vector<16xi32>], vector<16xi32>, vector<16xi1>
      %slice3A_268 = vector.extract_strided_slice %masked_cumsum3A_259 {offsets = [15], sizes = [1], strides = [1]} : vector<16xi32> to vector<1xi32>
      %squeeze3A_269 = vector.extract %slice3A_268[0] : i32 from vector<1xi32>
      %add3A_270 = arith.addi %add3A_244, %squeeze3A_269 : i32
      scf.yield %add3A_270 : i32
    }
    %scan3A_23 = arith.constant 128 : i32
    %min3A = arith.constant 4096 : i32
    %min3A_24 = arith.minsi %scan3A_22, %min3A : i32
    %eq3A = arith.constant 0 : i32
    %eq3A_25 = vector.broadcast %eq3A : i32 to vector<16xi32>
    %eq3A_26 = arith.cmpi eq, %iota3A, %eq3A_25 : vector<16xi32>
    %broadcast_in_dim3A_27 = arith.constant 0 : i32
    %broadcast_in_dim3A_28 = vector.broadcast %broadcast_in_dim3A_27 : i32 to vector<16xi32>
    %while3A = arith.constant 0 : i32
    %while3A_29 = arith.constant 0 : i32
    %while3A_30 = arith.subi %min3A_24, %while3A_29 : i32
    %while3A_31 = arith.addi %while3A_29, %while3A_30 : i32
    %while3A_32 = arith.constant 1 : i32
    %while3A_33 = arith.divsi %while3A_30, %while3A_32 : i32
    %while3A_34 = arith.muli %while3A_33, %while3A_32 : i32
    %while3A_35 = arith.addi %while3A_29, %while3A_34 : i32
    %while3A_36 = arith.constant 1 : i32
    scf.for %while3A_68 = %while3A_29 to %while3A_35 step %while3A_36  : i32 {
      %sub3A_69 = arith.constant 1 : i32
      %sub3A_70 = arith.subi %min3A_24, %sub3A_69 : i32
      %sub3A_71 = arith.subi %sub3A_70, %while3A_68 : i32
      %get3A = arith.index_cast %sub3A_71 : i32 to index
      %get3A_72 = tpu.vector_load %arg7[%get3A] {strides = array<i32>} : memref<4112xi32, #tpu.memory_space<vmem>>, vector<16xi32>,
      %slice3A = vector.extract_strided_slice %get3A_72 {offsets = [0], sizes = [1], strides = [1]} : vector<16xi32> to vector<1xi32>
      %squeeze3A = vector.extract %slice3A[0] : i32 from vector<1xi32>
      %sub3A_73 = arith.subi %squeeze3A, %mul3A_2 : i32
      %get3A_74 = arith.index_cast %sub3A_73 : i32 to index
      %get3A_75 = tpu.vector_load %arg9[%get3A_74] {strides = array<i32>} : memref<31360xi32, #tpu.memory_space<vmem>>, vector<16xi32>,
      %slice3A_76 = vector.extract_strided_slice %get3A_75 {offsets = [0], sizes = [1], strides = [1]} : vector<16xi32> to vector<1xi32>
      %squeeze3A_77 = vector.extract %slice3A_76[0] : i32 from vector<1xi32>
      %get3A_78 = arith.index_cast %sub3A_71 : i32 to index
      %get3A_79 = tpu.vector_load %arg8[%get3A_78] {strides = array<i32>} : memref<4112xi32, #tpu.memory_space<vmem>>, vector<16xi32>,
      %slice3A_80 = vector.extract_strided_slice %get3A_79 {offsets = [0], sizes = [1], strides = [1]} : vector<16xi32> to vector<1xi32>
      %squeeze3A_81 = vector.extract %slice3A_80[0] : i32 from vector<1xi32>
      %eq3A_82 = arith.constant 0 : i32
      %eq3A_83 = arith.cmpi eq, %squeeze3A_77, %eq3A_82 : i32
      %sub3A_84 = arith.constant 1 : i32
      %sub3A_85 = arith.subi %squeeze3A_77, %sub3A_84 : i32
      %select_n3A_86 = arith.select %eq3A_83, %squeeze3A_81, %sub3A_85 : i32
      %add3A_87 = vector.broadcast %sub3A_73 : i32 to vector<16xi32>
      %add3A_88 = arith.addi %broadcast_in_dim3A_28, %add3A_87 : vector<16xi32>
      %add3A_89 = vector.broadcast %select_n3A_86 : i32 to vector<16xi32>
      %add3A_90 = arith.addi %broadcast_in_dim3A_28, %add3A_89 : vector<16xi32>
      %add3A_91 = arith.constant 1 : i32
      %add3A_92 = vector.broadcast %add3A_91 : i32 to vector<16xi32>
      %add3A_93 = arith.addi %add3A_90, %add3A_92 : vector<16xi32>
      tpu.vector_store_idx %arg9[%add3A_88], %add3A_93 masked %eq3A_26 : memref<31360xi32, #tpu.memory_space<vmem>>[vector<16xi32>], vector<16xi32>, vector<16xi1>
      %add3A_94 = vector.broadcast %sub3A_71 : i32 to vector<16xi32>
      %add3A_95 = arith.addi %broadcast_in_dim3A_28, %add3A_94 : vector<16xi32>
      %add3A_96 = vector.broadcast %select_n3A_86 : i32 to vector<16xi32>
      %add3A_97 = arith.addi %broadcast_in_dim3A_28, %add3A_96 : vector<16xi32>
      tpu.vector_store_idx %arg8[%add3A_95], %add3A_97 masked %eq3A_26 : memref<4112xi32, #tpu.memory_space<vmem>>[vector<16xi32>], vector<16xi32>, vector<16xi1>
    }
    %while3A_37 = arith.constant 1 : i32
    scf.for %while3A_68 = %while3A_35 to %while3A_31 step %while3A_37  : i32 {
      %sub3A_69 = arith.constant 1 : i32
      %sub3A_70 = arith.subi %min3A_24, %sub3A_69 : i32
      %sub3A_71 = arith.subi %sub3A_70, %while3A_68 : i32
      %get3A = arith.index_cast %sub3A_71 : i32 to index
      %get3A_72 = tpu.vector_load %arg7[%get3A] {strides = array<i32>} : memref<4112xi32, #tpu.memory_space<vmem>>, vector<16xi32>,
      %slice3A = vector.extract_strided_slice %get3A_72 {offsets = [0], sizes = [1], strides = [1]} : vector<16xi32> to vector<1xi32>
      %squeeze3A = vector.extract %slice3A[0] : i32 from vector<1xi32>
      %sub3A_73 = arith.subi %squeeze3A, %mul3A_2 : i32
      %get3A_74 = arith.index_cast %sub3A_73 : i32 to index
      %get3A_75 = tpu.vector_load %arg9[%get3A_74] {strides = array<i32>} : memref<31360xi32, #tpu.memory_space<vmem>>, vector<16xi32>,
      %slice3A_76 = vector.extract_strided_slice %get3A_75 {offsets = [0], sizes = [1], strides = [1]} : vector<16xi32> to vector<1xi32>
      %squeeze3A_77 = vector.extract %slice3A_76[0] : i32 from vector<1xi32>
      %get3A_78 = arith.index_cast %sub3A_71 : i32 to index
      %get3A_79 = tpu.vector_load %arg8[%get3A_78] {strides = array<i32>} : memref<4112xi32, #tpu.memory_space<vmem>>, vector<16xi32>,
      %slice3A_80 = vector.extract_strided_slice %get3A_79 {offsets = [0], sizes = [1], strides = [1]} : vector<16xi32> to vector<1xi32>
      %squeeze3A_81 = vector.extract %slice3A_80[0] : i32 from vector<1xi32>
      %eq3A_82 = arith.constant 0 : i32
      %eq3A_83 = arith.cmpi eq, %squeeze3A_77, %eq3A_82 : i32
      %sub3A_84 = arith.constant 1 : i32
      %sub3A_85 = arith.subi %squeeze3A_77, %sub3A_84 : i32
      %select_n3A_86 = arith.select %eq3A_83, %squeeze3A_81, %sub3A_85 : i32
      %add3A_87 = vector.broadcast %sub3A_73 : i32 to vector<16xi32>
      %add3A_88 = arith.addi %broadcast_in_dim3A_28, %add3A_87 : vector<16xi32>
      %add3A_89 = vector.broadcast %select_n3A_86 : i32 to vector<16xi32>
      %add3A_90 = arith.addi %broadcast_in_dim3A_28, %add3A_89 : vector<16xi32>
      %add3A_91 = arith.constant 1 : i32
      %add3A_92 = vector.broadcast %add3A_91 : i32 to vector<16xi32>
      %add3A_93 = arith.addi %add3A_90, %add3A_92 : vector<16xi32>
      tpu.vector_store_idx %arg9[%add3A_88], %add3A_93 masked %eq3A_26 : memref<31360xi32, #tpu.memory_space<vmem>>[vector<16xi32>], vector<16xi32>, vector<16xi1>
      %add3A_94 = vector.broadcast %sub3A_71 : i32 to vector<16xi32>
      %add3A_95 = arith.addi %broadcast_in_dim3A_28, %add3A_94 : vector<16xi32>
      %add3A_96 = vector.broadcast %select_n3A_86 : i32 to vector<16xi32>
      %add3A_97 = arith.addi %broadcast_in_dim3A_28, %add3A_96 : vector<16xi32>
      tpu.vector_store_idx %arg8[%add3A_95], %add3A_97 masked %eq3A_26 : memref<4112xi32, #tpu.memory_space<vmem>>[vector<16xi32>], vector<16xi32>, vector<16xi1>
    }
    %add3A_38 = arith.constant 128 : i32
    %add3A_39 = arith.addi %min3A_24, %add3A_38 : i32
    %sub3A = arith.constant 1 : i32
    %sub3A_40 = arith.subi %add3A_39, %sub3A : i32
    %jit3A = arith.constant 128 : i32
    %div3A = arith.divsi %sub3A_40, %jit3A : i32
    %sign3A = arith.constant 0 : i32
    %sign3A_41 = arith.cmpi sgt, %sub3A_40, %sign3A : i32
    %sign3A_42 = arith.extui %sign3A_41 : i1 to i32
    %sign3A_43 = arith.constant 0 : i32
    %sign3A_44 = arith.cmpi slt, %sub3A_40, %sign3A_43 : i32
    %sign3A_45 = arith.extui %sign3A_44 : i1 to i32
    %sign3A_46 = arith.subi %sign3A_42, %sign3A_45 : i32
    %sign3A_47 = arith.constant 0 : i32
    %sign3A_48 = arith.cmpi sgt, %jit3A, %sign3A_47 : i32
    %sign3A_49 = arith.extui %sign3A_48 : i1 to i32
    %sign3A_50 = arith.constant 0 : i32
    %sign3A_51 = arith.cmpi slt, %jit3A, %sign3A_50 : i32
    %sign3A_52 = arith.extui %sign3A_51 : i1 to i32
    %sign3A_53 = arith.subi %sign3A_49, %sign3A_52 : i32
    %ne3A = arith.cmpi ne, %sign3A_46, %sign3A_53 : i32
    %rem3A = arith.remsi %sub3A_40, %jit3A : i32
    %ne3A_54 = arith.constant 0 : i32
    %ne3A_55 = arith.cmpi ne, %rem3A, %ne3A_54 : i32
    %and3A = arith.andi %ne3A, %ne3A_55 : i1
    %sub3A_56 = arith.constant 1 : i32
    %sub3A_57 = arith.subi %div3A, %sub3A_56 : i32
    %select_n3A = arith.select %and3A, %sub3A_57, %div3A : i32
    %while3A_58 = arith.constant 0 : i32
    %while3A_59 = arith.constant 0 : i32
    %while3A_60 = arith.subi %select_n3A, %while3A_59 : i32
    %while3A_61 = arith.addi %while3A_59, %while3A_60 : i32
    %while3A_62 = arith.constant 1 : i32
    %while3A_63 = arith.divsi %while3A_60, %while3A_62 : i32
    %while3A_64 = arith.muli %while3A_63, %while3A_62 : i32
    %while3A_65 = arith.addi %while3A_59, %while3A_64 : i32
    %while3A_66 = arith.constant 1 : i32
    scf.for %while3A_68 = %while3A_59 to %while3A_65 step %while3A_66  : i32 {
      %mul3A_69 = arith.constant 128 : i32
      %mul3A_70 = arith.muli %while3A_68, %mul3A_69 : i32
      %sub3A_71 = arith.subi %min3A_24, %mul3A_70 : i32
      %min3A_72 = arith.constant 128 : i32
      %min3A_73 = arith.minsi %sub3A_71, %min3A_72 : i32
      %dma_start3A = tpu.memref_slice %arg8[%mul3A_70] : memref<4112xi32, #tpu.memory_space<vmem>> -> memref<128xi32, #tpu.memory_space<vmem>>
      %dma_start3A_74 = arith.constant 0 : i32
      %dma_start3A_75 = arith.constant 0 : i32
      %dma_start3A_76 = tpu.memref_slice %arg3[%dma_start3A_74, %dma_start3A_75] : memref<16384x128xf32, #tpu.memory_space<hbm>> -> memref<16384x128xf32, #tpu.memory_space<hbm>>
      tpu.enqueue_indirect_dma source(%dma_start3A_76 : memref<16384x128xf32, #tpu.memory_space<hbm>>) target(%arg10 : memref<128x128xf32, #tpu.memory_space<vmem>>) offsets(%dma_start3A : memref<128xi32, #tpu.memory_space<vmem>>) semaphore(%arg11 : memref<!tpu.dma_semaphore, #tpu.memory_space<semaphore_mem>>)
      %dma_wait3A = tpu.memref_slice %arg8[%mul3A_70] : memref<4112xi32, #tpu.memory_space<vmem>> -> memref<128xi32, #tpu.memory_space<vmem>>
      %dma_wait3A_77 = arith.constant 0 : i32
      %dma_wait3A_78 = arith.constant 0 : i32
      %dma_wait3A_79 = tpu.memref_slice %arg3[%dma_wait3A_77, %dma_wait3A_78] : memref<16384x128xf32, #tpu.memory_space<hbm>> -> memref<16384x128xf32, #tpu.memory_space<hbm>>
      tpu.wait_indirect_dma semaphore(%arg11 : memref<!tpu.dma_semaphore, #tpu.memory_space<semaphore_mem>>) src(%dma_wait3A_79 : memref<16384x128xf32, #tpu.memory_space<hbm>>) dst(%arg10 : memref<128x128xf32, #tpu.memory_space<vmem>>)
      %while3A_80 = arith.constant 0 : i32
      %while3A_81 = arith.subi %min3A_73, %while3A_80 : i32
      %while3A_82 = arith.addi %while3A_80, %while3A_81 : i32
      %while3A_83 = arith.constant 1 : i32
      %while3A_84 = arith.divsi %while3A_81, %while3A_83 : i32
      %while3A_85 = arith.muli %while3A_84, %while3A_83 : i32
      %while3A_86 = arith.addi %while3A_80, %while3A_85 : i32
      %while3A_87 = arith.constant 1 : i32
      scf.for %while3A_99 = %while3A_80 to %while3A_86 step %while3A_87  : i32 {
        %add3A_100 = arith.addi %mul3A_70, %while3A_99 : i32
        %get3A = arith.index_cast %add3A_100 : i32 to index
        %get3A_101 = tpu.vector_load %arg7[%get3A] {strides = array<i32>} : memref<4112xi32, #tpu.memory_space<vmem>>, vector<16xi32>,
        %slice3A = vector.extract_strided_slice %get3A_101 {offsets = [0], sizes = [1], strides = [1]} : vector<16xi32> to vector<1xi32>
        %squeeze3A = vector.extract %slice3A[0] : i32 from vector<1xi32>
        %dma_start3A_102 = arith.constant 0 : i32
        %dma_start3A_103 = tpu.memref_slice %arg10[%while3A_99, %dma_start3A_102] : memref<128x128xf32, #tpu.memory_space<vmem>> -> memref<1x64xf32, #tpu.memory_space<vmem>>
        %dma_start3A_104 = tpu.memref_squeeze %dma_start3A_103 : memref<1x64xf32, #tpu.memory_space<vmem>> -> memref<64xf32, #tpu.memory_space<vmem>>
        %dma_start3A_105 = arith.constant 0 : i32
        %dma_start3A_106 = tpu.memref_slice %arg4[%squeeze3A, %dma_start3A_105] : memref<1000000x64xf32, #tpu.memory_space<hbm>> -> memref<1x64xf32, #tpu.memory_space<hbm>>
        %dma_start3A_107 = tpu.memref_squeeze %dma_start3A_106 : memref<1x64xf32, #tpu.memory_space<hbm>> -> memref<64xf32, #tpu.memory_space<hbm>>
        %dma_start3A_108 = arith.constant 0 : i32
        %dma_start3A_109 = tpu.memref_slice %arg4[%squeeze3A, %dma_start3A_108] : memref<1000000x64xf32, #tpu.memory_space<hbm>> -> memref<1x64xf32, #tpu.memory_space<hbm>>
        %dma_start3A_110 = tpu.memref_squeeze %dma_start3A_109 : memref<1x64xf32, #tpu.memory_space<hbm>> -> memref<64xf32, #tpu.memory_space<hbm>>
        %dma_start3A_111 = arith.constant 0 : i32
        %dma_start3A_112 = tpu.memref_slice %arg10[%while3A_99, %dma_start3A_111] : memref<128x128xf32, #tpu.memory_space<vmem>> -> memref<1x64xf32, #tpu.memory_space<vmem>>
        %dma_start3A_113 = tpu.memref_squeeze %dma_start3A_112 : memref<1x64xf32, #tpu.memory_space<vmem>> -> memref<64xf32, #tpu.memory_space<vmem>>
        tpu.enqueue_dma source(%dma_start3A_113 : memref<64xf32, #tpu.memory_space<vmem>>) target(%dma_start3A_110 : memref<64xf32, #tpu.memory_space<hbm>>) target_semaphore(%arg12 : memref<!tpu.dma_semaphore, #tpu.memory_space<semaphore_mem>>)
      }
      %while3A_88 = arith.constant 1 : i32
      scf.for %while3A_99 = %while3A_86 to %while3A_82 step %while3A_88  : i32 {
        %add3A_100 = arith.addi %mul3A_70, %while3A_99 : i32
        %get3A = arith.index_cast %add3A_100 : i32 to index
        %get3A_101 = tpu.vector_load %arg7[%get3A] {strides = array<i32>} : memref<4112xi32, #tpu.memory_space<vmem>>, vector<16xi32>,
        %slice3A = vector.extract_strided_slice %get3A_101 {offsets = [0], sizes = [1], strides = [1]} : vector<16xi32> to vector<1xi32>
        %squeeze3A = vector.extract %slice3A[0] : i32 from vector<1xi32>
        %dma_start3A_102 = arith.constant 0 : i32
        %dma_start3A_103 = tpu.memref_slice %arg10[%while3A_99, %dma_start3A_102] : memref<128x128xf32, #tpu.memory_space<vmem>> -> memref<1x64xf32, #tpu.memory_space<vmem>>
        %dma_start3A_104 = tpu.memref_squeeze %dma_start3A_103 : memref<1x64xf32, #tpu.memory_space<vmem>> -> memref<64xf32, #tpu.memory_space<vmem>>
        %dma_start3A_105 = arith.constant 0 : i32
        %dma_start3A_106 = tpu.memref_slice %arg4[%squeeze3A, %dma_start3A_105] : memref<1000000x64xf32, #tpu.memory_space<hbm>> -> memref<1x64xf32, #tpu.memory_space<hbm>>
        %dma_start3A_107 = tpu.memref_squeeze %dma_start3A_106 : memref<1x64xf32, #tpu.memory_space<hbm>> -> memref<64xf32, #tpu.memory_space<hbm>>
        %dma_start3A_108 = arith.constant 0 : i32
        %dma_start3A_109 = tpu.memref_slice %arg4[%squeeze3A, %dma_start3A_108] : memref<1000000x64xf32, #tpu.memory_space<hbm>> -> memref<1x64xf32, #tpu.memory_space<hbm>>
        %dma_start3A_110 = tpu.memref_squeeze %dma_start3A_109 : memref<1x64xf32, #tpu.memory_space<hbm>> -> memref<64xf32, #tpu.memory_space<hbm>>
        %dma_start3A_111 = arith.constant 0 : i32
        %dma_start3A_112 = tpu.memref_slice %arg10[%while3A_99, %dma_start3A_111] : memref<128x128xf32, #tpu.memory_space<vmem>> -> memref<1x64xf32, #tpu.memory_space<vmem>>
        %dma_start3A_113 = tpu.memref_squeeze %dma_start3A_112 : memref<1x64xf32, #tpu.memory_space<vmem>> -> memref<64xf32, #tpu.memory_space<vmem>>
        tpu.enqueue_dma source(%dma_start3A_113 : memref<64xf32, #tpu.memory_space<vmem>>) target(%dma_start3A_110 : memref<64xf32, #tpu.memory_space<hbm>>) target_semaphore(%arg12 : memref<!tpu.dma_semaphore, #tpu.memory_space<semaphore_mem>>)
      }
      %while3A_89 = arith.constant 0 : i32
      %while3A_90 = arith.constant 0 : i32
      %while3A_91 = arith.subi %min3A_73, %while3A_90 : i32
      %while3A_92 = arith.addi %while3A_90, %while3A_91 : i32
      %while3A_93 = arith.constant 1 : i32
      %while3A_94 = arith.divsi %while3A_91, %while3A_93 : i32
      %while3A_95 = arith.muli %while3A_94, %while3A_93 : i32
      %while3A_96 = arith.addi %while3A_90, %while3A_95 : i32
      %while3A_97 = arith.constant 1 : i32
      scf.for %while3A_99 = %while3A_90 to %while3A_96 step %while3A_97  : i32 {
        %dma_wait3A_100 = arith.constant 0 : i32
        %dma_wait3A_101 = arith.constant 0 : i32
        %dma_wait3A_102 = arith.constant 0 : i32
        %dma_wait3A_103 = tpu.memref_slice %arg10[%dma_wait3A_100, %dma_wait3A_102] : memref<128x128xf32, #tpu.memory_space<vmem>> -> memref<1x64xf32, #tpu.memory_space<vmem>>
        %dma_wait3A_104 = tpu.memref_squeeze %dma_wait3A_103 : memref<1x64xf32, #tpu.memory_space<vmem>> -> memref<64xf32, #tpu.memory_space<vmem>>
        %dma_wait3A_105 = arith.constant 0 : i32
        %dma_wait3A_106 = tpu.memref_slice %arg4[%dma_wait3A_101, %dma_wait3A_105] : memref<1000000x64xf32, #tpu.memory_space<hbm>> -> memref<1x64xf32, #tpu.memory_space<hbm>>
        %dma_wait3A_107 = tpu.memref_squeeze %dma_wait3A_106 : memref<1x64xf32, #tpu.memory_space<hbm>> -> memref<64xf32, #tpu.memory_space<hbm>>
        %dma_wait3A_108 = arith.constant 0 : i32
        %dma_wait3A_109 = tpu.memref_slice %arg4[%dma_wait3A_101, %dma_wait3A_108] : memref<1000000x64xf32, #tpu.memory_space<hbm>> -> memref<1x64xf32, #tpu.memory_space<hbm>>
        %dma_wait3A_110 = tpu.memref_squeeze %dma_wait3A_109 : memref<1x64xf32, #tpu.memory_space<hbm>> -> memref<64xf32, #tpu.memory_space<hbm>>
        %dma_wait3A_111 = arith.constant 0 : i32
        %dma_wait3A_112 = tpu.memref_slice %arg10[%dma_wait3A_100, %dma_wait3A_111] : memref<128x128xf32, #tpu.memory_space<vmem>> -> memref<1x64xf32, #tpu.memory_space<vmem>>
        %dma_wait3A_113 = tpu.memref_squeeze %dma_wait3A_112 : memref<1x64xf32, #tpu.memory_space<vmem>> -> memref<64xf32, #tpu.memory_space<vmem>>
        tpu.wait_dma2 semaphore(%arg12 : memref<!tpu.dma_semaphore, #tpu.memory_space<semaphore_mem>>) src(%dma_wait3A_113 : memref<64xf32, #tpu.memory_space<vmem>>) dst(%dma_wait3A_110 : memref<64xf32, #tpu.memory_space<hbm>>)
      }
      %while3A_98 = arith.constant 1 : i32
      scf.for %while3A_99 = %while3A_96 to %while3A_92 step %while3A_98  : i32 {
        %dma_wait3A_100 = arith.constant 0 : i32
        %dma_wait3A_101 = arith.constant 0 : i32
        %dma_wait3A_102 = arith.constant 0 : i32
        %dma_wait3A_103 = tpu.memref_slice %arg10[%dma_wait3A_100, %dma_wait3A_102] : memref<128x128xf32, #tpu.memory_space<vmem>> -> memref<1x64xf32, #tpu.memory_space<vmem>>
        %dma_wait3A_104 = tpu.memref_squeeze %dma_wait3A_103 : memref<1x64xf32, #tpu.memory_space<vmem>> -> memref<64xf32, #tpu.memory_space<vmem>>
        %dma_wait3A_105 = arith.constant 0 : i32
        %dma_wait3A_106 = tpu.memref_slice %arg4[%dma_wait3A_101, %dma_wait3A_105] : memref<1000000x64xf32, #tpu.memory_space<hbm>> -> memref<1x64xf32, #tpu.memory_space<hbm>>
        %dma_wait3A_107 = tpu.memref_squeeze %dma_wait3A_106 : memref<1x64xf32, #tpu.memory_space<hbm>> -> memref<64xf32, #tpu.memory_space<hbm>>
        %dma_wait3A_108 = arith.constant 0 : i32
        %dma_wait3A_109 = tpu.memref_slice %arg4[%dma_wait3A_101, %dma_wait3A_108] : memref<1000000x64xf32, #tpu.memory_space<hbm>> -> memref<1x64xf32, #tpu.memory_space<hbm>>
        %dma_wait3A_110 = tpu.memref_squeeze %dma_wait3A_109 : memref<1x64xf32, #tpu.memory_space<hbm>> -> memref<64xf32, #tpu.memory_space<hbm>>
        %dma_wait3A_111 = arith.constant 0 : i32
        %dma_wait3A_112 = tpu.memref_slice %arg10[%dma_wait3A_100, %dma_wait3A_111] : memref<128x128xf32, #tpu.memory_space<vmem>> -> memref<1x64xf32, #tpu.memory_space<vmem>>
        %dma_wait3A_113 = tpu.memref_squeeze %dma_wait3A_112 : memref<1x64xf32, #tpu.memory_space<vmem>> -> memref<64xf32, #tpu.memory_space<vmem>>
        tpu.wait_dma2 semaphore(%arg12 : memref<!tpu.dma_semaphore, #tpu.memory_space<semaphore_mem>>) src(%dma_wait3A_113 : memref<64xf32, #tpu.memory_space<vmem>>) dst(%dma_wait3A_110 : memref<64xf32, #tpu.memory_space<hbm>>)
      }
    }
    %while3A_67 = arith.constant 1 : i32
    scf.for %while3A_68 = %while3A_65 to %while3A_61 step %while3A_67  : i32 {
      %mul3A_69 = arith.constant 128 : i32
      %mul3A_70 = arith.muli %while3A_68, %mul3A_69 : i32
      %sub3A_71 = arith.subi %min3A_24, %mul3A_70 : i32
      %min3A_72 = arith.constant 128 : i32
      %min3A_73 = arith.minsi %sub3A_71, %min3A_72 : i32
      %dma_start3A = tpu.memref_slice %arg8[%mul3A_70] : memref<4112xi32, #tpu.memory_space<vmem>> -> memref<128xi32, #tpu.memory_space<vmem>>
      %dma_start3A_74 = arith.constant 0 : i32
      %dma_start3A_75 = arith.constant 0 : i32
      %dma_start3A_76 = tpu.memref_slice %arg3[%dma_start3A_74, %dma_start3A_75] : memref<16384x128xf32, #tpu.memory_space<hbm>> -> memref<16384x128xf32, #tpu.memory_space<hbm>>
      tpu.enqueue_indirect_dma source(%dma_start3A_76 : memref<16384x128xf32, #tpu.memory_space<hbm>>) target(%arg10 : memref<128x128xf32, #tpu.memory_space<vmem>>) offsets(%dma_start3A : memref<128xi32, #tpu.memory_space<vmem>>) semaphore(%arg11 : memref<!tpu.dma_semaphore, #tpu.memory_space<semaphore_mem>>)
      %dma_wait3A = tpu.memref_slice %arg8[%mul3A_70] : memref<4112xi32, #tpu.memory_space<vmem>> -> memref<128xi32, #tpu.memory_space<vmem>>
      %dma_wait3A_77 = arith.constant 0 : i32
      %dma_wait3A_78 = arith.constant 0 : i32
      %dma_wait3A_79 = tpu.memref_slice %arg3[%dma_wait3A_77, %dma_wait3A_78] : memref<16384x128xf32, #tpu.memory_space<hbm>> -> memref<16384x128xf32, #tpu.memory_space<hbm>>
      tpu.wait_indirect_dma semaphore(%arg11 : memref<!tpu.dma_semaphore, #tpu.memory_space<semaphore_mem>>) src(%dma_wait3A_79 : memref<16384x128xf32, #tpu.memory_space<hbm>>) dst(%arg10 : memref<128x128xf32, #tpu.memory_space<vmem>>)
      %while3A_80 = arith.constant 0 : i32
      %while3A_81 = arith.subi %min3A_73, %while3A_80 : i32
      %while3A_82 = arith.addi %while3A_80, %while3A_81 : i32
      %while3A_83 = arith.constant 1 : i32
      %while3A_84 = arith.divsi %while3A_81, %while3A_83 : i32
      %while3A_85 = arith.muli %while3A_84, %while3A_83 : i32
      %while3A_86 = arith.addi %while3A_80, %while3A_85 : i32
      %while3A_87 = arith.constant 1 : i32
      scf.for %while3A_99 = %while3A_80 to %while3A_86 step %while3A_87  : i32 {
        %add3A_100 = arith.addi %mul3A_70, %while3A_99 : i32
        %get3A = arith.index_cast %add3A_100 : i32 to index
        %get3A_101 = tpu.vector_load %arg7[%get3A] {strides = array<i32>} : memref<4112xi32, #tpu.memory_space<vmem>>, vector<16xi32>,
        %slice3A = vector.extract_strided_slice %get3A_101 {offsets = [0], sizes = [1], strides = [1]} : vector<16xi32> to vector<1xi32>
        %squeeze3A = vector.extract %slice3A[0] : i32 from vector<1xi32>
        %dma_start3A_102 = arith.constant 0 : i32
        %dma_start3A_103 = tpu.memref_slice %arg10[%while3A_99, %dma_start3A_102] : memref<128x128xf32, #tpu.memory_space<vmem>> -> memref<1x64xf32, #tpu.memory_space<vmem>>
        %dma_start3A_104 = tpu.memref_squeeze %dma_start3A_103 : memref<1x64xf32, #tpu.memory_space<vmem>> -> memref<64xf32, #tpu.memory_space<vmem>>
        %dma_start3A_105 = arith.constant 0 : i32
        %dma_start3A_106 = tpu.memref_slice %arg4[%squeeze3A, %dma_start3A_105] : memref<1000000x64xf32, #tpu.memory_space<hbm>> -> memref<1x64xf32, #tpu.memory_space<hbm>>
        %dma_start3A_107 = tpu.memref_squeeze %dma_start3A_106 : memref<1x64xf32, #tpu.memory_space<hbm>> -> memref<64xf32, #tpu.memory_space<hbm>>
        %dma_start3A_108 = arith.constant 0 : i32
        %dma_start3A_109 = tpu.memref_slice %arg4[%squeeze3A, %dma_start3A_108] : memref<1000000x64xf32, #tpu.memory_space<hbm>> -> memref<1x64xf32, #tpu.memory_space<hbm>>
        %dma_start3A_110 = tpu.memref_squeeze %dma_start3A_109 : memref<1x64xf32, #tpu.memory_space<hbm>> -> memref<64xf32, #tpu.memory_space<hbm>>
        %dma_start3A_111 = arith.constant 0 : i32
        %dma_start3A_112 = tpu.memref_slice %arg10[%while3A_99, %dma_start3A_111] : memref<128x128xf32, #tpu.memory_space<vmem>> -> memref<1x64xf32, #tpu.memory_space<vmem>>
        %dma_start3A_113 = tpu.memref_squeeze %dma_start3A_112 : memref<1x64xf32, #tpu.memory_space<vmem>> -> memref<64xf32, #tpu.memory_space<vmem>>
        tpu.enqueue_dma source(%dma_start3A_113 : memref<64xf32, #tpu.memory_space<vmem>>) target(%dma_start3A_110 : memref<64xf32, #tpu.memory_space<hbm>>) target_semaphore(%arg12 : memref<!tpu.dma_semaphore, #tpu.memory_space<semaphore_mem>>)
      }
      %while3A_88 = arith.constant 1 : i32
      scf.for %while3A_99 = %while3A_86 to %while3A_82 step %while3A_88  : i32 {
        %add3A_100 = arith.addi %mul3A_70, %while3A_99 : i32
        %get3A = arith.index_cast %add3A_100 : i32 to index
        %get3A_101 = tpu.vector_load %arg7[%get3A] {strides = array<i32>} : memref<4112xi32, #tpu.memory_space<vmem>>, vector<16xi32>,
        %slice3A = vector.extract_strided_slice %get3A_101 {offsets = [0], sizes = [1], strides = [1]} : vector<16xi32> to vector<1xi32>
        %squeeze3A = vector.extract %slice3A[0] : i32 from vector<1xi32>
        %dma_start3A_102 = arith.constant 0 : i32
        %dma_start3A_103 = tpu.memref_slice %arg10[%while3A_99, %dma_start3A_102] : memref<128x128xf32, #tpu.memory_space<vmem>> -> memref<1x64xf32, #tpu.memory_space<vmem>>
        %dma_start3A_104 = tpu.memref_squeeze %dma_start3A_103 : memref<1x64xf32, #tpu.memory_space<vmem>> -> memref<64xf32, #tpu.memory_space<vmem>>
        %dma_start3A_105 = arith.constant 0 : i32
        %dma_start3A_106 = tpu.memref_slice %arg4[%squeeze3A, %dma_start3A_105] : memref<1000000x64xf32, #tpu.memory_space<hbm>> -> memref<1x64xf32, #tpu.memory_space<hbm>>
        %dma_start3A_107 = tpu.memref_squeeze %dma_start3A_106 : memref<1x64xf32, #tpu.memory_space<hbm>> -> memref<64xf32, #tpu.memory_space<hbm>>
        %dma_start3A_108 = arith.constant 0 : i32
        %dma_start3A_109 = tpu.memref_slice %arg4[%squeeze3A, %dma_start3A_108] : memref<1000000x64xf32, #tpu.memory_space<hbm>> -> memref<1x64xf32, #tpu.memory_space<hbm>>
        %dma_start3A_110 = tpu.memref_squeeze %dma_start3A_109 : memref<1x64xf32, #tpu.memory_space<hbm>> -> memref<64xf32, #tpu.memory_space<hbm>>
        %dma_start3A_111 = arith.constant 0 : i32
        %dma_start3A_112 = tpu.memref_slice %arg10[%while3A_99, %dma_start3A_111] : memref<128x128xf32, #tpu.memory_space<vmem>> -> memref<1x64xf32, #tpu.memory_space<vmem>>
        %dma_start3A_113 = tpu.memref_squeeze %dma_start3A_112 : memref<1x64xf32, #tpu.memory_space<vmem>> -> memref<64xf32, #tpu.memory_space<vmem>>
        tpu.enqueue_dma source(%dma_start3A_113 : memref<64xf32, #tpu.memory_space<vmem>>) target(%dma_start3A_110 : memref<64xf32, #tpu.memory_space<hbm>>) target_semaphore(%arg12 : memref<!tpu.dma_semaphore, #tpu.memory_space<semaphore_mem>>)
      }
      %while3A_89 = arith.constant 0 : i32
      %while3A_90 = arith.constant 0 : i32
      %while3A_91 = arith.subi %min3A_73, %while3A_90 : i32
      %while3A_92 = arith.addi %while3A_90, %while3A_91 : i32
      %while3A_93 = arith.constant 1 : i32
      %while3A_94 = arith.divsi %while3A_91, %while3A_93 : i32
      %while3A_95 = arith.muli %while3A_94, %while3A_93 : i32
      %while3A_96 = arith.addi %while3A_90, %while3A_95 : i32
      %while3A_97 = arith.constant 1 : i32
      scf.for %while3A_99 = %while3A_90 to %while3A_96 step %while3A_97  : i32 {
        %dma_wait3A_100 = arith.constant 0 : i32
        %dma_wait3A_101 = arith.constant 0 : i32
        %dma_wait3A_102 = arith.constant 0 : i32
        %dma_wait3A_103 = tpu.memref_slice %arg10[%dma_wait3A_100, %dma_wait3A_102] : memref<128x128xf32, #tpu.memory_space<vmem>> -> memref<1x64xf32, #tpu.memory_space<vmem>>
        %dma_wait3A_104 = tpu.memref_squeeze %dma_wait3A_103 : memref<1x64xf32, #tpu.memory_space<vmem>> -> memref<64xf32, #tpu.memory_space<vmem>>
        %dma_wait3A_105 = arith.constant 0 : i32
        %dma_wait3A_106 = tpu.memref_slice %arg4[%dma_wait3A_101, %dma_wait3A_105] : memref<1000000x64xf32, #tpu.memory_space<hbm>> -> memref<1x64xf32, #tpu.memory_space<hbm>>
        %dma_wait3A_107 = tpu.memref_squeeze %dma_wait3A_106 : memref<1x64xf32, #tpu.memory_space<hbm>> -> memref<64xf32, #tpu.memory_space<hbm>>
        %dma_wait3A_108 = arith.constant 0 : i32
        %dma_wait3A_109 = tpu.memref_slice %arg4[%dma_wait3A_101, %dma_wait3A_108] : memref<1000000x64xf32, #tpu.memory_space<hbm>> -> memref<1x64xf32, #tpu.memory_space<hbm>>
        %dma_wait3A_110 = tpu.memref_squeeze %dma_wait3A_109 : memref<1x64xf32, #tpu.memory_space<hbm>> -> memref<64xf32, #tpu.memory_space<hbm>>
        %dma_wait3A_111 = arith.constant 0 : i32
        %dma_wait3A_112 = tpu.memref_slice %arg10[%dma_wait3A_100, %dma_wait3A_111] : memref<128x128xf32, #tpu.memory_space<vmem>> -> memref<1x64xf32, #tpu.memory_space<vmem>>
        %dma_wait3A_113 = tpu.memref_squeeze %dma_wait3A_112 : memref<1x64xf32, #tpu.memory_space<vmem>> -> memref<64xf32, #tpu.memory_space<vmem>>
        tpu.wait_dma2 semaphore(%arg12 : memref<!tpu.dma_semaphore, #tpu.memory_space<semaphore_mem>>) src(%dma_wait3A_113 : memref<64xf32, #tpu.memory_space<vmem>>) dst(%dma_wait3A_110 : memref<64xf32, #tpu.memory_space<hbm>>)
      }
      %while3A_98 = arith.constant 1 : i32
      scf.for %while3A_99 = %while3A_96 to %while3A_92 step %while3A_98  : i32 {
        %dma_wait3A_100 = arith.constant 0 : i32
        %dma_wait3A_101 = arith.constant 0 : i32
        %dma_wait3A_102 = arith.constant 0 : i32
        %dma_wait3A_103 = tpu.memref_slice %arg10[%dma_wait3A_100, %dma_wait3A_102] : memref<128x128xf32, #tpu.memory_space<vmem>> -> memref<1x64xf32, #tpu.memory_space<vmem>>
        %dma_wait3A_104 = tpu.memref_squeeze %dma_wait3A_103 : memref<1x64xf32, #tpu.memory_space<vmem>> -> memref<64xf32, #tpu.memory_space<vmem>>
        %dma_wait3A_105 = arith.constant 0 : i32
        %dma_wait3A_106 = tpu.memref_slice %arg4[%dma_wait3A_101, %dma_wait3A_105] : memref<1000000x64xf32, #tpu.memory_space<hbm>> -> memref<1x64xf32, #tpu.memory_space<hbm>>
        %dma_wait3A_107 = tpu.memref_squeeze %dma_wait3A_106 : memref<1x64xf32, #tpu.memory_space<hbm>> -> memref<64xf32, #tpu.memory_space<hbm>>
        %dma_wait3A_108 = arith.constant 0 : i32
        %dma_wait3A_109 = tpu.memref_slice %arg4[%dma_wait3A_101, %dma_wait3A_108] : memref<1000000x64xf32, #tpu.memory_space<hbm>> -> memref<1x64xf32, #tpu.memory_space<hbm>>
        %dma_wait3A_110 = tpu.memref_squeeze %dma_wait3A_109 : memref<1x64xf32, #tpu.memory_space<hbm>> -> memref<64xf32, #tpu.memory_space<hbm>>
        %dma_wait3A_111 = arith.constant 0 : i32
        %dma_wait3A_112 = tpu.memref_slice %arg10[%dma_wait3A_100, %dma_wait3A_111] : memref<128x128xf32, #tpu.memory_space<vmem>> -> memref<1x64xf32, #tpu.memory_space<vmem>>
        %dma_wait3A_113 = tpu.memref_squeeze %dma_wait3A_112 : memref<1x64xf32, #tpu.memory_space<vmem>> -> memref<64xf32, #tpu.memory_space<vmem>>
        tpu.wait_dma2 semaphore(%arg12 : memref<!tpu.dma_semaphore, #tpu.memory_space<semaphore_mem>>) src(%dma_wait3A_113 : memref<64xf32, #tpu.memory_space<vmem>>) dst(%dma_wait3A_110 : memref<64xf32, #tpu.memory_space<hbm>>)
      }
    }
    return
  }
}

</mosaic_0001>

<sc_bundles>
// kernel: kernel.3.cloned.1.call-start
scs
__scs_entry_jumppad:
0x0: {  	(pc) =	sbr.rel $0x88, $3  }
0x1: {  	(tag) =	ssettag $0x0;
	lr =	simm.s32 $0x1  }
0x2: {  	[smem:$0x3F9E] =	sst lr;
	_ =	strace $0xD0000000  }
0x3: {  	_ = 	snop  }
0x4: {  	_ = 	snop  }
0x5: {  	_ = 	snop  }
0x6: {  	_ = 	snop  }
0x7: {  	_ = 	snop  }
__scs_overlays_trampoline_lowered:
0x8: {  	[smem:$0x3FAD] =	sst s0  }
0x9: {  	[smem:$0x3FAE] =	sst s1  }
0xa: {  	[smem:$0x3FAF] =	sst s2  }
0xb: {  	[smem:$0x3FB0] =	sst s3  }
0xc: {  	[smem:$0x3FB1] =	sst s4  }
0xd: {  	[smem:$0x3FB2] =	sst s5  }
0xe: {  	[smem:$0x3FB3] =	sst s6  }
0xf: {  	[smem:$0x3FB4] =	sst s7  }
0x10: {  	[smem:$0x3FB5] =	sst s8  }
0x11: {  	[smem:$0x3FB6] =	sst s9;
	s0 =	simm.s32 @!p0 $0x0  }
0x12: {  	s1 =	sld [smem:$0x3F9C];
	s0 =	simm.s32 @p0 $0x1  }
0x13: {  	[smem:$0x3FB7] =	sst s0;
	s0 =	simm.s32 @!p1 $0x0  }
0x14: {  	s2 =	sld [smem:$0x3F9B];
	s0 =	simm.s32 @p1 $0x1  }
0x15: {  	[smem:$0x3FB8] =	sst s0;
	s0 =	simm.s32 @!p2 $0x0  }
0x16: {  	s3 =	sld [smem:$0x3FDB];
	s0 =	simm.s32 @p2 $0x1  }
0x17: {  	s4 =	simm.s32 $0x1BF5;
	[smem:$0x3FBA] =	sst s0  }
0x18: {  	s0 =	sld [smem:$0x3F9D];
	_ =	swait.ge [sflag:s4], $0x0  }
0x19: {  	s7 =	sld [smem:$0x3F9E]  }
0x1a: {  	s8 =	sadd.s32 $0xFFFFE003, lr  }
0x1b: {  	s9 =	sadd.s32 $0xFFFFFEF7, lr;
	s5 =	simm.s32 $0xFFFFFFFF;
	p2 =	slt.u32 s8, $0xFFFFF086  }
0x1c: {  	p1 =	slt.u32 s9, $0xF7A;
	s5 =	simm.s32 @!p2 $0x0  }
0x1d: {  	s5 =	simm.s32 @p1 $0x1;
	p0 =	seq.s32 s7, s2  }
0x1e: {  	s7 =	smul.u32 @!p0 $0xF7A, s2;
	p2 =	seq.s32 @!p0 s5, $0x0  }
0x1f: {  	s9 =	smul.u32 $0xF7A, s1;
	s8 =	simm.s32 @!p0 $0x1BF5;
	p2 =	por !p2, p0  }
0x20: {  	[sflag:s8] =	ssyncset.s32 @!p0 $0xFFFFF086;
	s6 =	sadd.s32 @!p0 s3, s7;
	s7 =	simm.s32 @!p0 $0x108  }
0x21: {  	s3 =	sadd.s32 s3, s9;
	s6 =	sadd.s32 @!p0 $0x88, s6;
	s7 =	simm.s32 @p2 $0x1082  }
0x22: {  	[simem:s7], [sflag:s8] =	dma.local @!p0 [hbm:s6], $0xF7A  }
0x23: {  	s9 =	sor.u32 $0xD0000000, s2;
	s6 =	simm.s32 $0x108;
	_ =	swait.ge @!p0 [sflag:s8], $0x0  }
0x24: {  	s3 =	sadd.s32 $0x88, s3;
	s6 =	simm.s32 @!p1 $0x1082;
	[sflag:s4] =	ssyncset.s32 $0xFFFFF086  }
0x25: {  	[simem:s6], [sflag:s4] =	dma.local [hbm:s3], $0xF7A  }
0x26: {  	[smem:$0x3F9E] =	sst s1;
	(tag) =	ssettag s2;
	_ =	strace s9  }
0x27: {  	s1 =	sld [smem:$0x3FAE]  }
0x28: {  	s2 =	sld [smem:$0x3FAF]  }
0x29: {  	s4 =	sld [smem:$0x3FB1]  }
0x2a: {  	p0 =	seq.s32 s5, $0x0;
	s5 =	sld [smem:$0x3FB2]  }
0x2b: {  	s6 =	sld [smem:$0x3FB3]  }
0x2c: {  	s7 =	sld [smem:$0x3FB4]  }
0x2d: {  	s3 =	simm.s32 $0x108;
	s8 =	sld [smem:$0x3FB5]  }
0x2e: {  	s3 =	simm.s32 @!p0 $0x1082;
	s9 =	sld [smem:$0x3FB6]  }
0x2f: {  	lr =	sadd.s32 s0, s3;
	s0 =	sld [smem:$0x3FAD]  }
0x30: {  	s3 =	sld [smem:$0x3FB0]  }
0x31: {  	[smem:$0x3FB9] =	sst s10  }
0x32: {  	s10 =	sld [smem:$0x3FB7];
	_ =	sdelay $0x3  }
0x33: {  	p0 =	seq.s32 s10, $0x1;
	s10 =	sld [smem:$0x3FB9];
	_ =	sdelay $0x3  }
0x34: {  	[smem:$0x3FB9] =	sst s10  }
0x35: {  	s10 =	sld [smem:$0x3FB8];
	_ =	sdelay $0x3  }
0x36: {  	p1 =	seq.s32 s10, $0x1;
	s10 =	sld [smem:$0x3FB9];
	_ =	sdelay $0x3  }
0x37: {  	[smem:$0x3FB9] =	sst s10  }
0x38: {  	s10 =	sld [smem:$0x3FBA]  }
0x39: {  	_ = 	snop;
	(pc) =	sbr.ind lr, $3  }
0x3a: {  	_ = 	snop  }
0x3b: {  	_ = 	snop  }
0x3c: {  	p2 =	seq.s32 s10, $0x1;
	s10 =	sld [smem:$0x3FB9]  }
0x3d: {  	_ =	shalt  }
0x3e: {  	_ =	shalt  }
0x3f: {  	_ =	shalt  }
0x40: {  	_ =	shalt  }
0x41: {  	_ =	shalt  }
0x42: {  	_ =	shalt  }
0x43: {  	_ =	shalt  }
0x44: {  	_ =	shalt  }
0x45: {  	_ =	shalt  }
0x46: {  	_ =	shalt  }
0x47: {  	_ =	shalt  }
0x48: {  	_ =	shalt  }
0x49: {  	_ =	shalt  }
0x4a: {  	_ =	shalt  }
0x4b: {  	_ =	shalt  }
0x4c: {  	_ =	shalt  }
0x4d: {  	_ =	shalt  }
0x4e: {  	_ =	shalt  }
0x4f: {  	_ =	shalt  }
0x50: {  	_ =	shalt  }
0x51: {  	_ =	shalt  }
0x52: {  	_ =	shalt  }
0x53: {  	_ =	shalt  }
0x54: {  	_ =	shalt  }
0x55: {  	_ =	shalt  }
0x56: {  	_ =	shalt  }
0x57: {  	_ =	shalt  }
0x58: {  	_ =	shalt  }
0x59: {  	_ =	shalt  }
0x5a: {  	_ =	shalt  }
0x5b: {  	_ =	shalt  }
0x5c: {  	_ =	shalt  }
0x5d: {  	_ =	shalt  }
0x5e: {  	_ =	shalt  }
0x5f: {  	_ =	shalt  }
0x60: {  	_ =	shalt  }
0x61: {  	_ =	shalt  }
0x62: {  	_ =	shalt  }
0x63: {  	_ =	shalt  }
0x64: {  	_ =	shalt  }
0x65: {  	_ =	shalt  }
0x66: {  	_ =	shalt  }
0x67: {  	_ =	shalt  }
0x68: {  	_ =	shalt  }
0x69: {  	_ =	shalt  }
0x6a: {  	_ =	shalt  }
0x6b: {  	_ =	shalt  }
0x6c: {  	_ =	shalt  }
0x6d: {  	_ =	shalt  }
0x6e: {  	_ =	shalt  }
0x6f: {  	_ =	shalt  }
0x70: {  	_ =	shalt  }
0x71: {  	_ =	shalt  }
0x72: {  	_ =	shalt  }
0x73: {  	_ =	shalt  }
0x74: {  	_ =	shalt  }
0x75: {  	_ =	shalt  }
0x76: {  	_ =	shalt  }
0x77: {  	_ =	shalt  }
0x78: {  	_ =	shalt  }
0x79: {  	_ =	shalt  }
0x7a: {  	_ =	shalt  }
0x7b: {  	_ =	shalt  }
0x7c: {  	_ =	shalt  }
0x7d: {  	_ =	shalt  }
0x7e: {  	_ =	shalt  }
0x7f: {  	_ =	shalt  }
0x80: {  	_ =	shalt  }
0x81: {  	_ =	shalt  }
0x82: {  	_ =	shalt  }
0x83: {  	_ =	shalt  }
0x84: {  	_ =	shalt  }
0x85: {  	_ =	shalt  }
0x86: {  	_ =	shalt  }
0x87: {  	_ =	shalt  }
.Lfunc_end0:
.L_simem_size_0:
called_computation_lowered:
.L_overlay_start_0:
0x88: {  	s2 =	sld [smem:$0x3FD9]  }
0x89: {  	s3 =	sld [smem:$0x3FFE];
	_ =	sdelay $0x1  }
0x8a: {  	s1 =	srdreg.scid  }
0x8b: {  	s0 =	sand.u32 $0x1, s1  }
0x8c: {  	s14 =	sshll.u32 s0, $0xA;
	s2 =	sadd.s32 s3, s2  }
0x8d: {  	s2 =	sadd.s32 s2, s14  }
0x8e: {  	[smem:$0x3FC5] =	sst s2  }
0x8f: {  	_ = 	snop  }
0x90: {  	s2 =	sld [smem:$0x3FD0];
	_ =	sdelay $0x2  }
0x91: {  	s4 =	simm.s32 $0xA;
	s5 =	simm.s32 $0x10;
	s15 =	sld [smem:$0x3FC9]  }
0x92: {  	[smem:s5], [sflag:s4] =	dma.local [hbm:s2], $0x1  }
0x93: {  	_ =	swait.eq [sflag:s4], $0x1  }
0x94: {  	[sflag:s4] =	ssyncset.done $0x0  }
0x95: {  	[sflag:s4] =	ssyncadd.s32 $0xFFFFFFFF  }
0x96: {  	s16 =	sld [smem:$0x11];
	(tm) =	ssettm $0x1  }
0x97: {  	s17 =	sld [smem:$0x3FFB];
	_ =	sdelay $0x3  }
0x98: {  	_ =	strace s17  }
0x99: {  	s4 =	sld [smem:$0x3FFC];
	_ =	sdelay $0x3  }
0x9a: {  	_ =	strace s4  }
0x9b: {  	s4 =	sld [smem:$0x3FFD];
	_ =	sdelay $0x3  }
0x9c: {  	_ =	strace s4  }
0x9d: {  	_ =	strace $0x8FFFFFFF  }
0x9e: {  	s18 =	sld [smem:$0x3FDB];
	_ =	sdelay $0x1  }
0x9f: {  	s19 =	simm.s32 $_scs_section_size  }
0xa0: {  	s6 =	simm.s32 $_size__tile_overlayer_lowered;
	s7 =	simm.s32 $_tile_overlayer_lowered  }
0xa1: {  	s22 =	simm.s32 $0x1BFF;
	s21 =	sshll.u32 s7, $0x1;
	s4 =	sadd.s32 s19, s18  }
0xa2: {  	s8 =	simm.s32 $0x0;
	s20 =	sshll.u32 s6, $0x1;
	s6 =	sadd.s32 s21, s4  }
0xa3: {  	[timem:s8], [sflag:s22] =	dma.local [hbm:s6], s20  }
0xa4: {  	_ =	swait.ge [sflag:s22], s20  }
0xa5: {  	s5 =	ssub.s32 $0x0, s20;
	[sflag:s22] =	ssyncset.done $0x0  }
0xa6: {  	[sflag:s22] =	ssyncadd.s32 s5;
	_ =	sdelay $0x1  }
0xa7: {  	s23 =	simm.s32 $0x1B8B  }
0xa8: {  	_ =	swait.ge [sflag:s23], $0x1  }
0xa9: {  	[sflag:s23] =	ssyncset.done $0x0  }
0xaa: {  	s25 =	simm.s32 $0x1B8E;
	s24 =	sld [smem:$0x3FFE];
	[sflag:s23] =	ssyncadd.s32 $0xFFFFFFFF  }
0xab: {  	s26 =	simm.s32 $execute0_lowered;
	[smem:$0x3FD2] =	sst s25  }
0xac: {  	s6 =	sshll.u32 s26, $0x1;
	_ =	strace $0x80000046;
	[dreg:$0x1] =	wrdreg $0xFFFFFFFF  }
0xad: {  	s28 =	simm.s32 $_size_execute0_lowered;
	s4 =	sadd.s32 s4, s6;
	[dreg:$0x0] =	wrdreg $0x0  }
0xae: {  	s6 =	sshll.u32 s28, $0x1;
	[dreg:$0x2] =	wrdreg s4  }
0xaf: {  	[dreg:$0x3] =	wrdreg s6  }
0xb0: {  	[dreg:$0x4] =	wrdreg $0xC0  }
0xb1: {  	_ =	task [dreg:s8], $0x5FFFF  }
0xb2: {  	[dreg:$0x1] =	wrdreg $0xFFFFFFFF  }
0xb3: {  	[dreg:$0x0] =	wrdreg $0x60  }
0xb4: {  	[dreg:$0x2] =	wrdreg s15  }
0xb5: {  	[dreg:$0x3] =	wrdreg s16  }
0xb6: {  	[dreg:$0x4] =	wrdreg s24  }
0xb7: {  	[dreg:$0x5] =	wrdreg $0x9  }
0xb8: {  	_ =	task.clear_ibuf [dreg:s8], $0x6FFFF;
	_ =	strace $0x90000046  }
0xb9: {  	s29 =	simm.s32 $0x9;
	_ =	strace $0x80000048  }
0xba: {  	_ =	swait.ge [sflag:s29], $0x1  }
0xbb: {  	[sflag:s29] =	ssyncadd.s32 $0xFFFFFFFF  }
0xbc: {  	_ =	strace $0x90000048  }
0xbd: {  	_ =	sfence  }
0xbe: {  	s30 =	sld [smem:$0x0];
	_ =	sdelay $0x2  }
0xbf: {  	s31 =	sshll.u32 s1, $0xD;
	s1 =	sshrl.u32 s1, $0x2  }
0xc0: {  	s3 =	sand.u32 $0x4000, s31;
	s1 =	sadd.s32 s1, s30  }
0xc1: {  	s0 =	sor.u32 s3, s0;
	s1 =	sshll.u32 s1, $0x11  }
0xc2: {  	s0 =	sor.u32 s1, s0  }
0xc3: {  	s0 =	sadd.s32 $0x8F2B, s0  }
0xc4: {  	[sflag:s0] =	ssyncadd.remote.s32 $0x1  }
0xc5: {  	_ =	sfence.sel $0xFFFF  }
0xc6: {  	[dreg:$0x0] =	wrdreg $0xFFFFFFFF;
	(pc) =	sbr.abs _section_cstart, $3  }
0xc7: {  	[dreg:$0x1] =	wrdreg $0xFFFFFFFF  }
0xc8: {  	_ =	task.clear_ibuf [dreg:s8], $0x2FFFF;
	_ =	strace $0x9FFFFFFF  }
0xc9: {  	(tm) =	ssettm $0x7FFFFFFF  }
tec
execute0_lowered:
.L_overlay_start_1:
0x0: {  	(tag) =	ssettag $0x1  }
0x1: {  	s2 =	rddreg [dreg:$0x0]  }
0x2: {  	s3 =	rddreg [dreg:$0x1]  }
0x3: {  	s6 =	rddreg [dreg:$0x2]  }
0x4: {  	s4 =	srdreg.scid;
	s1 =	stileid.u32  }
0x5: {  	s0 =	rddreg [dreg:$0x3];
	s9 =	simm.s32 $0x4000;
	s10 =	simm.s32 $0x5080  }
0x6: {  	s11 =	simm.s32 $0x6100;
	s12 =	simm.s32 $0x1;
	s13 =	simm.s32 $0x80  }
0x7: {  	s15 =	simm.s32 $0x2;
	s5 =	sand.u32 $0x1, s4;
	s7 =	sshll.u32 s1, $0x1  }
.Ltmp0:
0x8: {  	s8 =	ssub.s32 $0x2, s5;
	s5 =	sor.u32 s5, s7;
	(pc) =	sbr.rel .LBB2_1-.Ltmp0, $4  }
0x9: {  	s16 =	simm.s32 $0x0;
	s4 =	simm.s32 $0x0;
	s5 =	smul.u32 $0x7A12, s5  }
0xa: {  	s6 =	sadd.s32 $0x800, s6;
	[smem:$0x7FF] =	sst s4;
	s31 =	sshrl.u32 s8, $0x1  }
0xb: {  	v2 =	vimm.s32 $0x0;
	_ =	strace $0x80000047;
	s7 =	ssub.s32 s8, s31;
	s14 =	sadd.s32 $0x7A12, s5  }
0xc: {  	v3 =	vlaneseq.u32;
	s8 =	simm.s32 $0x3;
	s7 =	smax.u32 s7, $0x1;
	v0 =	vmov s5;
	v1 =	vmov s14;
	s14 =	simm.s32 $0x400  }
.LBB2_27:
0xd: {  	s16 =	sadd.s32 $0x1, s16  }
0xe: {  	p0 =	sne.s32 s16, s7  }
.Ltmp1:
0xf: {  	_ = 	snop;
	(pc) =	sbr.rel @!p0 .LBB2_28-.Ltmp1, $1  }
0x10: {  	_ =	sdelay $0x3  }
.LBB2_1:
0x11: {  	[tilespmem:s4], [sflag:$0x3] =	stream.linear.gather [hbm4b:s2+s4], $0x4000, $0x38;
	[tilespmem:$0x11B80] =	vst v63  }
0x12: {  	_ =	swait.ge [sflag:s8], $0x4000  }
0x13: {  	[sflag:s8] =	ssyncset.done $0x0  }
0x14: {  	s18 =	simm.s32 $0x0;
	s17 =	simm.s32 $0x200;
	[sflag:s8] =	ssyncadd.s32 $0xFFFFC000  }
.LBB2_2:
0x15: {  	p0 =	sne.s32 s17, $0x1E800;
	[tilespmem:s18+$0x6170] =	vst v2  }
0x16: {  	[tilespmem:s18+$0x6100] =	vst v2  }
0x17: {  	[tilespmem:s18+$0x6110] =	vst v2  }
.Ltmp2:
0x18: {  	[tilespmem:s18+$0x6120] =	vst v2;
	(pc) =	sbr.rel @p0 .LBB2_2-.Ltmp2, $4  }
0x19: {  	[tilespmem:s18+$0x6130] =	vst v2  }
0x1a: {  	[tilespmem:s18+$0x6140] =	vst v2  }
0x1b: {  	[tilespmem:s18+$0x6150] =	vst v2  }
0x1c: {  	[tilespmem:s18+$0x6160] =	vst v2;
	s18 =	sshra.s32 s17, $0x2;
	s17 =	sadd.s32 $0x200, s17  }
0x1d: {  	[tilespmem:s18+$0x6170] =	vst v2  }
0x1e: {  	[tilespmem:s18+$0x6100] =	vst v2  }
0x1f: {  	[tilespmem:s18+$0x6110] =	vst v2  }
0x20: {  	[tilespmem:s18+$0x6120] =	vst v2  }
0x21: {  	[tilespmem:s18+$0x6130] =	vst v2  }
0x22: {  	[tilespmem:s18+$0x6140] =	vst v2  }
0x23: {  	[tilespmem:s18+$0x6150] =	vst v2  }
0x24: {  	s17 =	simm.s32 $0x0;
	[tilespmem:s18+$0x6160] =	vst v2;
	s18 =	simm.s32 $0x0  }
.LBB2_4:
0x25: {  	p0 =	sne.s32 s18, $0x4000  }
.Ltmp3:
0x26: {  	_ = 	snop;
	(pc) =	sbr.rel @p0 .LBB2_4-.Ltmp3, $3  }
0x27: {  	_ =	sdelay $0x1  }
0x28: {  	s19 =	sshra.s32 s18, $0x2  }
0x29: {  	s18 =	sadd.s32 $0x40, s18;
	[tilespmem:s19+$0x5080] =	vst v2  }
0x2a: {  	s19 =	simm.s32 $0x70;
	s20 =	simm.s32 $0x40  }
.LBB2_6:
0x2b: {  	v4 =	vld [tilespmem:s20+$0xFFFFFFC0];
	_ =	sdelay $0x4  }
0x2c: {  	vm0 =	vge.s32 v4, v0;
	vm1 =	vlt.s32 v4, v1  }
0x2d: {  	vm0 =	vmand vm0, vm1  }
0x2e: {  	v5 =	vsel vm0, $0x1, v2  }
0x2f: {  	(xrf0) =	vadd.scan.msk.s32 $0xffff, v5;
	_ =	sdelay $0x4  }
0x30: {  	v5 =	vsel vm0, $0xFFFFFFFF, v2  }
0x31: {  	v5 =	vadd.s32 s17, v5;
	v6, _, _ =	vpop (xrf0)  }
0x32: {  	v5 =	vadd.s32 v6, v5  }
0x33: {  	vm6 =	vlt.s32 v5, $0xFFF  }
0x34: {  	v5 =	vnsel vm6, $0xFFF, v5;
	_ =	sdelay $0x3  }
0x35: {  	s30 =	sadd.s32 $0xFFFFFF90, s19  }
0x36: {  	[tilespmem:v5+s9+$0x0] =	vst.idx.msk vm0, v4;
	v4 =	vor.u32 s30, v3  }
0x37: {  	(v2sf) =	vpush v6, $0xF;
	[tilespmem:v5+s10+$0x0] =	vst.idx.msk vm0, v4  }
0x38: {  	v4 =	vld [tilespmem:s20+$0xFFFFFFD0];
	_ =	sdelay $0x4  }
0x39: {  	vm7 =	vge.s32 v4, v0;
	vm8 =	vlt.s32 v4, v1  }
0x3a: {  	vm0 =	vmand vm7, vm8  }
0x3b: {  	v5 =	vsel vm0, $0x1, v2  }
0x3c: {  	(xrf0) =	vadd.scan.msk.s32 $0xffff, v5;
	_ =	sdelay $0x5  }
0x3d: {  	s18 =	smov.u32 s17;
	s21 =	spop (v2sf);
	v5 =	vsel vm0, $0xFFFFFFFF, v2;
	v57, _, _ =	vpop (xrf0)  }
0x3e: {  	s31 =	sadd.s32 s18, s21;
	v5 =	vadd.s32 v5, v57  }
0x3f: {  	v5 =	vadd.s32 s31, v5  }
0x40: {  	vm9 =	vlt.s32 v5, $0xFFF  }
0x41: {  	v5 =	vnsel vm9, $0xFFF, v5;
	_ =	sdelay $0x3  }
0x42: {  	s22 =	sadd.s32 $0xFFFFFFA0, s19  }
0x43: {  	[tilespmem:v5+s9+$0x0] =	vst.idx.msk vm0, v4;
	v4 =	vor.u32 s22, v3  }
0x44: {  	(v2sf) =	vpush v57, $0xF;
	[tilespmem:v5+s10+$0x0] =	vst.idx.msk vm0, v4  }
0x45: {  	v4 =	vld [tilespmem:s20+$0xFFFFFFE0];
	_ =	sdelay $0x4  }
0x46: {  	vm10 =	vge.s32 v4, v0;
	vm11 =	vlt.s32 v4, v1  }
0x47: {  	vm0 =	vmand vm10, vm11  }
0x48: {  	v5 =	vsel vm0, $0x1, v2  }
0x49: {  	(xrf0) =	vadd.scan.msk.s32 $0xffff, v5;
	_ =	sdelay $0x5  }
0x4a: {  	s22 =	spop (v2sf);
	v5 =	vsel vm0, $0xFFFFFFFF, v2;
	v58, _, _ =	vpop (xrf0)  }
0x4b: {  	s17 =	sadd.s32 s31, s22;
	v5 =	vadd.s32 v5, v58  }
0x4c: {  	v5 =	vadd.s32 s17, v5  }
0x4d: {  	vm12 =	vlt.s32 v5, $0xFFF  }
0x4e: {  	v5 =	vnsel vm12, $0xFFF, v5;
	_ =	sdelay $0x3  }
0x4f: {  	s23 =	sadd.s32 $0xFFFFFFB0, s19  }
0x50: {  	[tilespmem:v5+s9+$0x0] =	vst.idx.msk vm0, v4;
	v4 =	vor.u32 s23, v3  }
0x51: {  	(v2sf) =	vpush v58, $0xF;
	[tilespmem:v5+s10+$0x0] =	vst.idx.msk vm0, v4  }
0x52: {  	v4 =	vld [tilespmem:s20+$0xFFFFFFF0];
	_ =	sdelay $0x4  }
0x53: {  	vm13 =	vge.s32 v4, v0;
	vm14 =	vlt.s32 v4, v1  }
0x54: {  	vm0 =	vmand vm13, vm14  }
0x55: {  	v5 =	vsel vm0, $0x1, v2  }
0x56: {  	(xrf0) =	vadd.scan.msk.s32 $0xffff, v5;
	_ =	sdelay $0x5  }
0x57: {  	s23 =	spop (v2sf);
	v5 =	vsel vm0, $0xFFFFFFFF, v2;
	v59, _, _ =	vpop (xrf0)  }
0x58: {  	s17 =	sadd.s32 s17, s23;
	v5 =	vadd.s32 v5, v59  }
0x59: {  	v5 =	vadd.s32 s17, v5  }
0x5a: {  	vm15 =	vlt.s32 v5, $0xFFF  }
0x5b: {  	v5 =	vnsel vm15, $0xFFF, v5;
	_ =	sdelay $0x3  }
0x5c: {  	s24 =	sadd.s32 $0xFFFFFFC0, s19  }
0x5d: {  	[tilespmem:v5+s9+$0x0] =	vst.idx.msk vm0, v4;
	v4 =	vor.u32 s24, v3  }
0x5e: {  	(v2sf) =	vpush v59, $0xF;
	[tilespmem:v5+s10+$0x0] =	vst.idx.msk vm0, v4  }
0x5f: {  	v4 =	vld [tilespmem:s20+$0x0];
	_ =	sdelay $0x4  }
0x60: {  	vm4 =	vge.s32 v4, v0;
	vm5 =	vlt.s32 v4, v1  }
0x61: {  	vm0 =	vmand vm4, vm5  }
0x62: {  	v5 =	vsel vm0, $0x1, v2  }
0x63: {  	(xrf0) =	vadd.scan.msk.s32 $0xffff, v5;
	_ =	sdelay $0x5  }
0x64: {  	s24 =	spop (v2sf);
	v5 =	vsel vm0, $0xFFFFFFFF, v2;
	v60, _, _ =	vpop (xrf0)  }
0x65: {  	s17 =	sadd.s32 s17, s24;
	v5 =	vadd.s32 v5, v60  }
0x66: {  	v5 =	vadd.s32 s17, v5  }
0x67: {  	vm6 =	vlt.s32 v5, $0xFFF  }
0x68: {  	v5 =	vnsel vm6, $0xFFF, v5;
	_ =	sdelay $0x3  }
0x69: {  	s25 =	sadd.s32 $0xFFFFFFD0, s19  }
0x6a: {  	[tilespmem:v5+s9+$0x0] =	vst.idx.msk vm0, v4;
	v4 =	vor.u32 s25, v3  }
0x6b: {  	(v2sf) =	vpush v60, $0xF;
	[tilespmem:v5+s10+$0x0] =	vst.idx.msk vm0, v4  }
0x6c: {  	v4 =	vld [tilespmem:s20+$0x10];
	_ =	sdelay $0x4  }
0x6d: {  	vm7 =	vge.s32 v4, v0;
	vm8 =	vlt.s32 v4, v1  }
0x6e: {  	vm0 =	vmand vm7, vm8  }
0x6f: {  	v5 =	vsel vm0, $0x1, v2  }
0x70: {  	(xrf0) =	vadd.scan.msk.s32 $0xffff, v5;
	_ =	sdelay $0x5  }
0x71: {  	s25 =	spop (v2sf);
	v5 =	vsel vm0, $0xFFFFFFFF, v2;
	v61, _, _ =	vpop (xrf0)  }
0x72: {  	s17 =	sadd.s32 s17, s25;
	v5 =	vadd.s32 v5, v61  }
0x73: {  	v5 =	vadd.s32 s17, v5  }
0x74: {  	vm9 =	vlt.s32 v5, $0xFFF  }
0x75: {  	v5 =	vnsel vm9, $0xFFF, v5;
	_ =	sdelay $0x3  }
0x76: {  	s26 =	sadd.s32 $0xFFFFFFE0, s19  }
0x77: {  	[tilespmem:v5+s9+$0x0] =	vst.idx.msk vm0, v4;
	v4 =	vor.u32 s26, v3  }
0x78: {  	(v2sf) =	vpush v61, $0xF;
	[tilespmem:v5+s10+$0x0] =	vst.idx.msk vm0, v4  }
0x79: {  	v4 =	vld [tilespmem:s20+$0x20];
	_ =	sdelay $0x4  }
0x7a: {  	vm10 =	vge.s32 v4, v0;
	vm11 =	vlt.s32 v4, v1  }
0x7b: {  	vm0 =	vmand vm10, vm11  }
0x7c: {  	v5 =	vsel vm0, $0x1, v2  }
0x7d: {  	(xrf0) =	vadd.scan.msk.s32 $0xffff, v5;
	_ =	sdelay $0x5  }
0x7e: {  	s26 =	spop (v2sf);
	v5 =	vsel vm0, $0xFFFFFFFF, v2;
	v62, _, _ =	vpop (xrf0)  }
0x7f: {  	s17 =	sadd.s32 s17, s26;
	v5 =	vadd.s32 v5, v62  }
0x80: {  	v5 =	vadd.s32 s17, v5  }
0x81: {  	vm12 =	vlt.s32 v5, $0xFFF  }
0x82: {  	v5 =	vnsel vm12, $0xFFF, v5;
	_ =	sdelay $0x3  }
0x83: {  	s28 =	sadd.s32 $0xFFFFFFF0, s19  }
0x84: {  	[tilespmem:v5+s9+$0x0] =	vst.idx.msk vm0, v4;
	v4 =	vor.u32 s28, v3  }
0x85: {  	[tilespmem:v5+s10+$0x0] =	vst.idx.msk vm0, v4  }
0x86: {  	v4 =	vld [tilespmem:s20+$0x30];
	_ =	sdelay $0x4  }
0x87: {  	vm13 =	vge.s32 v4, v0;
	vm14 =	vlt.s32 v4, v1  }
0x88: {  	(v2sf) =	vpush v62, $0xF;
	vm0 =	vmand vm13, vm14  }
0x89: {  	v5 =	vsel vm0, $0x1, v2  }
0x8a: {  	(xrf0) =	vadd.scan.msk.s32 $0xffff, v5;
	_ =	sdelay $0x5  }
0x8b: {  	v5, _, _ =	vpop (xrf0)  }
0x8c: {  	(v2sf) =	vpush v5, $0xF;
	_ =	sdelay $0x5  }
0x8d: {  	s28 =	spop (v2sf);
	v63 =	vsel vm0, $0xFFFFFFFF, v2  }
0x8e: {  	s17 =	sadd.s32 s17, s28;
	v5 =	vadd.s32 v63, v5  }
0x8f: {  	v5 =	vadd.s32 s17, v5  }
0x90: {  	vm15 =	vlt.s32 v5, $0xFFF  }
0x91: {  	v5 =	vnsel vm15, $0xFFF, v5  }
0x92: {  	p0 =	sne.s32 s19, $0x3FF0  }
.Ltmp4:
0x93: {  	_ = 	snop;
	(pc) =	sbr.rel @p0 .LBB2_6-.Ltmp4, $3  }
0x94: {  	_ =	sdelay $0x1  }
0x95: {  	[tilespmem:v5+s9+$0x0] =	vst.idx.msk vm0, v4;
	v4 =	vor.u32 s19, v3;
	s29 =	spop (v2sf)  }
0x96: {  	s20 =	sadd.s32 $0x80, s20;
	s19 =	sadd.s32 $0x80, s19;
	[tilespmem:v5+s10+$0x0] =	vst.idx.msk vm0, v4;
	s17 =	sadd.s32 s17, s29  }
0x97: {  	p0 =	slt.s32 s17, $0x1  }
.Ltmp5:
0x98: {  	_ = 	snop;
	(pc) =	sbr.rel @p0 .LBB2_15-.Ltmp5, $1  }
0x99: {  	_ =	sdelay $0x3  }
0x9a: {  	s19 =	sadd.s32 s22, s21  }
0x9b: {  	s19 =	sadd.s32 s23, s19  }
0x9c: {  	s19 =	sadd.s32 s24, s19  }
0x9d: {  	s19 =	sadd.s32 s25, s19  }
0x9e: {  	s19 =	sadd.s32 s26, s19  }
0x9f: {  	s19 =	sadd.s32 s28, s19  }
0xa0: {  	s19 =	sadd.s32 s29, s19  }
0xa1: {  	s18 =	sadd.s32 s18, s19  }
0xa2: {  	p0 =	slt.s32 s18, $0x1000  }
0xa3: {  	s18 =	simm.s32 @!p0 $0x1000  }
0xa4: {  	s21 =	sadd.s32 $0xFFFFFFFF, s18  }
0xa5: {  	p1 =	sne.s32 s21, $0x0  }
.Ltmp6:
0xa6: {  	_ = 	snop;
	(pc) =	sbr.rel @!p1 .LBB2_9-.Ltmp6, $4  }
0xa7: {  	s30 =	sshll.u32 s18, $0x2  }
0xa8: {  	s31 =	sshra.s32 s30, $0x2  }
0xa9: {  	s20 =	sadd.s32 $0x3FFF, s31  }
0xaa: {  	p0 =	por $0x0, $0x0;
	s19 =	sadd.s32 $0xFFFFFFFF, s21;
	s18 =	sadd.s32 $0x507F, s31;
	v4 =	vld [tilespmem:s20+$0x0]  }
0xab: {  	_ =	sdelay $0x3  }
0xac: {  	(v2sf) =	vpush v4, $0x0;
	_ =	sdelay $0xe  }
0xad: {  	s22 =	spop (v2sf)  }
0xae: {  	s22 =	ssub.s32 s22, s5  }
0xaf: {  	v4 =	vld [tilespmem:s22+$0x6100]  }
0xb0: {  	v5 =	vld [tilespmem:s18+$0x0];
	_ =	sdelay $0x3  }
0xb1: {  	(v2sf) =	vpush v4, $0x0  }
0xb2: {  	(v2sf) =	vpush v5, $0x0;
	_ =	sdelay $0xd  }
0xb3: {  	v4 =	vmov s22;
	s31 =	spop (v2sf)  }
0xb4: {  	v5 =	vmov s21;
	p0 =	seq.s32 s31, $0x0;
	s22 =	sadd.s32 $0xFFFFFFFF, s31;
	s21 =	spop (v2sf)  }
0xb5: {  	s22 =	smov.u32 @p0 s21  }
0xb6: {  	p1 =	sne.s32 s19, $0x0;
	v6 =	vmov s22  }
.Ltmp7:
0xb7: {  	v7 =	vadd.s32 $0x1, v6;
	(pc) =	sbr.rel @!p1 .LBB2_11-.Ltmp7, $4  }
0xb8: {  	[tilespmem:v4+s11+$0x0] =	vst.idx.msk $0x1, v7  }
0xb9: {  	s21 =	sadd.s32 $0xFFFFFFFF, s20;
	[tilespmem:v5+s10+$0x0] =	vst.idx.msk $0x1, v6  }
0xba: {  	v4 =	vld [tilespmem:s21+$0x0]  }
0xbb: {  	p0 =	por $0x1, $0x1;
	s20 =	smov.u32 s18;
	s22 =	sadd.s32 $0xFFFFFFFF, s19  }
.LBB2_12:
0xbc: {  	p1 =	sne.s32 s22, $0x0;
	_ =	sdelay $0x2  }
0xbd: {  	(v2sf) =	vpush v4, $0x0;
	_ =	sdelay $0xe  }
0xbe: {  	s23 =	spop (v2sf)  }
0xbf: {  	s23 =	ssub.s32 s23, s5  }
0xc0: {  	s20 =	sadd.s32 $0xFFFFFFFF, s20;
	v4 =	vld [tilespmem:s23+$0x6100]  }
0xc1: {  	v5 =	vld [tilespmem:s20+$0x0];
	_ =	sdelay $0x3  }
0xc2: {  	(v2sf) =	vpush v4, $0x0  }
0xc3: {  	(v2sf) =	vpush v5, $0x0;
	_ =	sdelay $0xd  }
0xc4: {  	v4 =	vmov s23;
	s23 =	spop (v2sf)  }
0xc5: {  	v5 =	vmov s19;
	p2 =	seq.s32 s23, $0x0;
	s23 =	sadd.s32 $0xFFFFFFFF, s23;
	s19 =	spop (v2sf)  }
0xc6: {  	s23 =	smov.u32 @p2 s19;
	s19 =	smov.u32 s22  }
0xc7: {  	v6 =	vmov s23  }
.Ltmp8:
0xc8: {  	v7 =	vadd.s32 $0x1, v6;
	(pc) =	sbr.rel @p1 .LBB2_12-.Ltmp8, $4  }
0xc9: {  	[tilespmem:v4+s11+$0x0] =	vst.idx.msk $0x1, v7  }
0xca: {  	s21 =	sadd.s32 $0xFFFFFFFF, s21;
	[tilespmem:v5+s10+$0x0] =	vst.idx.msk $0x1, v6  }
0xcb: {  	v4 =	vld [tilespmem:s21+$0x0]  }
0xcc: {  	s22 =	sadd.s32 $0xFFFFFFFF, s22  }
0xcd: {  	s21 =	smov.u32 s19  }
.LBB2_14:
0xce: {  	_ =	sdelay $0x1  }
0xcf: {  	(v2sf) =	vpush v4, $0x0;
	_ =	sdelay $0xe  }
0xd0: {  	s19 =	spop (v2sf)  }
0xd1: {  	s20 =	sadd.s32 @p0 $0xFFFFFFFF, s20;
	s19 =	ssub.s32 s19, s5  }
0xd2: {  	s18 =	smov.u32 @p0 s20;
	v4 =	vld [tilespmem:s19+$0x6100]  }
0xd3: {  	v5 =	vld [tilespmem:s18+$0x0];
	_ =	sdelay $0x3  }
0xd4: {  	(v2sf) =	vpush v4, $0x0  }
0xd5: {  	(v2sf) =	vpush v5, $0x0;
	_ =	sdelay $0xd  }
0xd6: {  	v4 =	vmov s19;
	s31 =	spop (v2sf)  }
0xd7: {  	v5 =	vmov s21;
	p0 =	seq.s32 s31, $0x0;
	s18 =	sadd.s32 $0xFFFFFFFF, s31;
	s19 =	spop (v2sf)  }
0xd8: {  	s18 =	smov.u32 @p0 s19  }
0xd9: {  	v6 =	vmov s18  }
0xda: {  	v7 =	vadd.s32 $0x1, v6  }
0xdb: {  	[tilespmem:v4+s11+$0x0] =	vst.idx.msk $0x1, v7  }
0xdc: {  	[tilespmem:v5+s10+$0x0] =	vst.idx.msk $0x1, v6  }
.LBB2_15:
0xdd: {  	p0 =	slt.s32 s17, $0x1000  }
0xde: {  	p1 =	slt.s32 s17, $0xFFFFFF82;
	s17 =	simm.s32 @!p0 $0x1000  }
0xdf: {  	s18 =	sadd.s32 $0x7F, s17  }
0xe0: {  	s19 =	sand.u32 $0x7F, s18  }
0xe1: {  	s31 =	sshra.s32 s18, $0x1F;
	p6 =	sne.s32 s19, $0x0  }
0xe2: {  	s19 =	sshrl.u32 s31, $0x19;
	p0 =	por !p1, !p6  }
0xe3: {  	s18 =	sadd.s32 s19, s18;
	s19 =	simm.s32 $0x1;
	p0 =	por !p0, !p0  }
0xe4: {  	s18 =	sshra.s32 s18, $0x7;
	s19 =	simm.s32 @!p0 $0x0  }
0xe5: {  	s18 =	ssub.s32 s18, s19  }
0xe6: {  	p0 =	slt.s32 s18, $0x1  }
.Ltmp9:
0xe7: {  	_ = 	snop;
	(pc) =	sbr.rel @p0 .LBB2_27-.Ltmp9, $1  }
0xe8: {  	_ =	sdelay $0x3  }
.Ltmp10:
0xe9: {  	(pc) =	sbr.rel .LBB2_17-.Ltmp10, $2  }
0xea: {  	_ =	sdelay $0x2  }
0xeb: {  	s19 =	simm.s32 $0x0;
	s20 =	simm.s32 $0x4000;
	s21 =	smov.u32 s17  }
.LBB2_25:
0xec: {  	[sflag:s15] =	ssyncadd.s32 $0xFFFFFFC0  }
.LBB2_26:
0xed: {  	s19 =	sadd.s32 $0x1, s19  }
0xee: {  	p0 =	sne.s32 s19, s18  }
.Ltmp11:
0xef: {  	_ = 	snop;
	(pc) =	sbr.rel @!p0 .LBB2_27-.Ltmp11, $2  }
0xf0: {  	_ =	sdelay $0x2  }
0xf1: {  	s21 =	sadd.s32 $0xFFFFFF80, s21;
	s20 =	sadd.s32 $0x80, s20  }
.LBB2_17:
0xf2: {  	s22 =	sshll.u32 s19, $0x9  }
0xf3: {  	s22 =	sshra.s32 s22, $0x2  }
0xf4: {  	s23 =	sshll.u32 s19, $0x7;
	s24 =	sadd.s32 $0x5080, s22;
	s22 =	simm.s32 $0xDB80  }
0xf5: {  	[tilespmem:s22], [sflag:$0x1] =	stream.indirect.gather [hbm4b:s3+s13], $0x80, s24, s13, $0xb8;
	[tilespmem:$0x11B80] =	vst v63  }
0xf6: {  	p0 =	sgt.s32 s21, $0x1;
	s23 =	ssub.s32 s17, s23;
	s24 =	smov.u32 s21  }
0xf7: {  	s24 =	simm.s32 @!p0 $0x1;
	p0 =	slt.s32 s23, $0x1  }
.Ltmp12:
0xf8: {  	_ = 	snop;
	(pc) =	sbr.rel @p0 .LBB2_26-.Ltmp12, $4  }
0xf9: {  	_ = 	snop  }
0xfa: {  	_ =	swait.ge [sflag:s12], $0x4000  }
0xfb: {  	[sflag:s12] =	ssyncset.done $0x0  }
0xfc: {  	s23 =	smin.u32 s24, $0x80;
	[sflag:s12] =	ssyncadd.s32 $0xFFFFC000  }
0xfd: {  	p1 =	sne.s32 s23, $0x1  }
.Ltmp13:
0xfe: {  	_ = 	snop;
	(pc) =	sbr.rel @!p1 .LBB2_19-.Ltmp13, $2  }
0xff: {  	_ =	sdelay $0x2  }
0x100: {  	v4 =	vld [tilespmem:s20+$0x0];
	s24 =	sadd.s32 $0xFFFFFFFF, s23;
	p0 =	por $0x0, $0x0  }
0x101: {  	_ =	sdelay $0x3  }
0x102: {  	(v2sf) =	vpush v4, $0x0;
	_ =	sdelay $0xe  }
0x103: {  	s25 =	spop (v2sf)  }
0x104: {  	s25 =	sshll.u32 s25, $0x4  }
0x105: {  	s25 =	sand.u32 $0x1FFFFFF0, s25  }
0x106: {  	p1 =	sne.s32 s24, $0x1;
	s25 =	sadd.s32 s6, s25  }
0x107: {  	[hbm4b:s25+s13] =	stream.strided.scatter [tilespmem:s22], [sflag:$0x2], $0x0, s14, s13, $0x38;
	[tilespmem:$0x11B80] =	vst v63  }
.Ltmp14:
0x108: {  	_ = 	snop;
	(pc) =	sbr.rel @!p1 .LBB2_21-.Ltmp14, $4  }
0x109: {  	_ = 	snop  }
0x10a: {  	[hbm4b:s25+s4] =	stream.linear.scatter [tilespmem:s22], [sflag:$0x2], $0x40, $0x38;
	[tilespmem:$0x11B80] =	vst v63  }
0x10b: {  	s25 =	sadd.s32 $0x1, s20  }
0x10c: {  	s26 =	sadd.s32 $0xFFFFFFFF, s24;
	p0 =	por $0x1, $0x1;
	s24 =	simm.s32 $0xDB80;
	v4 =	vld [tilespmem:s25+$0x0]  }
.LBB2_22:
0x10d: {  	p1 =	sne.s32 s26, $0x1;
	_ =	sdelay $0x3  }
0x10e: {  	(v2sf) =	vpush v4, $0x0;
	_ =	sdelay $0xe  }
0x10f: {  	s28 =	spop (v2sf)  }
0x110: {  	s28 =	sshll.u32 s28, $0x4  }
0x111: {  	s28 =	sand.u32 $0x1FFFFFF0, s28  }
.Ltmp15:
0x112: {  	s24 =	sadd.s32 $0x80, s24;
	s28 =	sadd.s32 s6, s28;
	(pc) =	sbr.rel @p1 .LBB2_22-.Ltmp15, $4  }
0x113: {  	[hbm4b:s28+s13] =	stream.strided.scatter [tilespmem:s24], [sflag:$0x2], $0x0, s14, s13, $0x38;
	[tilespmem:$0x11B80] =	vst v63  }
0x114: {  	s25 =	sadd.s32 $0x1, s25  }
0x115: {  	[hbm4b:s28+s4] =	stream.linear.scatter [tilespmem:s24], [sflag:$0x2], $0x40, $0x38;
	[tilespmem:$0x11B80] =	vst v63  }
0x116: {  	s26 =	sadd.s32 $0xFFFFFFFF, s26;
	v4 =	vld [tilespmem:s25+$0x0]  }
.LBB2_23:
0x117: {  	_ =	sdelay $0x3  }
0x118: {  	(v2sf) =	vpush v4, $0x0;
	_ =	sdelay $0xe  }
0x119: {  	s25 =	spop (v2sf)  }
0x11a: {  	s25 =	sshll.u32 s25, $0x4  }
0x11b: {  	s24 =	sadd.s32 @p0 $0x80, s24;
	s25 =	sand.u32 $0x1FFFFFF0, s25  }
0x11c: {  	s22 =	smov.u32 @p0 s24;
	p0 =	sne.s32 s23, $0x1;
	s25 =	sadd.s32 s6, s25  }
0x11d: {  	[hbm4b:s25+s13] =	stream.strided.scatter [tilespmem:s22], [sflag:$0x2], $0x0, s14, s13, $0x38;
	[tilespmem:$0x11B80] =	vst v63  }
.Ltmp16:
0x11e: {  	_ = 	snop;
	(pc) =	sbr.rel @!p0 .LBB2_25-.Ltmp16, $4  }
0x11f: {  	_ = 	snop  }
0x120: {  	[hbm4b:s25+s4] =	stream.linear.scatter [tilespmem:s22], [sflag:$0x2], $0x40, $0x38;
	[tilespmem:$0x11B80] =	vst v63  }
0x121: {  	_ =	swait.ge [sflag:s15], $0x40  }
0x122: {  	s22 =	sadd.s32 $0xFFFFFFFF, s23;
	[sflag:s15] =	ssyncset.done $0x0  }
.LBB2_24:
0x123: {  	p0 =	sne.s32 s22, $0x1;
	s22 =	sadd.s32 $0xFFFFFFFF, s22;
	[sflag:s15] =	ssyncadd.s32 $0xFFFFFFC0  }
.Ltmp17:
0x124: {  	(pc) =	sbr.rel @p0 .LBB2_24-.Ltmp17, $3  }
0x125: {  	_ =	sdelay $0x1  }
0x126: {  	_ =	swait.ge [sflag:s15], $0x40  }
0x127: {  	[sflag:s15] =	ssyncset.done $0x0  }
.Ltmp18:
0x128: {  	_ = 	snop;
	(pc) =	sbr.rel .LBB2_25-.Ltmp18, $1  }
0x129: {  	_ =	sdelay $0x3  }
.LBB2_19:
.Ltmp19:
0x12a: {  	(pc) =	sbr.rel .LBB2_23-.Ltmp19, $2  }
0x12b: {  	_ =	sdelay $0x2  }
0x12c: {  	s24 =	simm.s32 $0xDB80  }
.LBB2_21:
.Ltmp20:
0x12d: {  	(pc) =	sbr.rel .LBB2_23-.Ltmp20, $2  }
0x12e: {  	_ =	sdelay $0x2  }
0x12f: {  	s24 =	simm.s32 $0xDB80  }
.LBB2_9:
.Ltmp21:
0x130: {  	(pc) =	sbr.rel .LBB2_14-.Ltmp21, $2  }
0x131: {  	_ =	sdelay $0x2  }
0x132: {  	s20 =	smov.u32 s18  }
.LBB2_11:
.Ltmp22:
0x133: {  	(pc) =	sbr.rel .LBB2_14-.Ltmp22, $2  }
0x134: {  	_ =	sdelay $0x2  }
0x135: {  	s20 =	smov.u32 s18;
	s21 =	smov.u32 s19  }
.LBB2_28:
0x136: {  	_ =	sfence.sel $0x180000  }
0x137: {  	[bflag:$0x0] =	sbarrier.arrive $0xFFFF  }
0x138: {  	p0 =	sne.s32 s1, $0x0;
	_ =	strace $0x90000047  }
0x139: {  	s0 =	sadd.s32 @!p0 $0x100000, s0;
	[bflag:$0x2] =	sbarrier.arrive $0xFFFF  }
0x13a: {  	[sflag:s0] =	ssyncadd.tile.s32 @!p0 $0x1;
	_ =	shalt  }
.Lfunc_end2:
_tile_overlayer_lowered:
.L_overlay_start_2:
0x13b: {  	(tag) =	ssettag $0x2  }
0x13c: {  	s0 =	rddreg [dreg:$0x0];
	s2 =	stileid.u32  }
0x13d: {  	s1 =	rddreg [dreg:$0x1];
	p0 =	sne.s32 s2, $0x0  }
0x13e: {  	s3 =	rddreg [dreg:$0x2];
	[bflag:$0x3] =	sbarrier.arrive $0xFFFF;
	s2 =	simm.s32 @!p0 $0x1C03  }
0x13f: {  	[timem:s3], [sflag:s2] =	dma.local @!p0 [hbm:s0], s1  }
0x140: {  	s0 =	simm.s32 @!p0 $0x3  }
0x141: {  	_ =	swait.ge @!p0 [sflag:s0], s1  }
0x142: {  	s1 =	ssub.s32 @!p0 $0x0, s1;
	[sflag:s0] =	ssyncset.done @!p0 $0x0  }
0x143: {  	[sflag:s0] =	ssyncadd.s32 @!p0 s1  }
0x144: {  	[bflag:$0x3] =	sbarrier.arrive $0xFFFF  }
0x145: {  	_ =	shalt  }

</sc_bundles>
